<compile_context>
chip_gen: v7x
topology: tpu7x:2x2x1
jax: 0.10.2.dev20260603
libtpu: 0.0.44.dev20260713+nightly
codegen_flags: <defaults>
</compile_context>

<pallas_src>
import functools
import numpy as np
import jax
import jax.numpy as jnp
from jax import lax
from jax.experimental import pallas as pl
from jax.experimental.pallas import tpu as pltpu
from jax.experimental.pallas import tpu_sc as plsc

NUMI = 16
PP = 16384
TT = 32
CC = 80

BPA = 16384
BCB = 8192
HALF = PP // 2

_BAL_B = float(np.e ** (1.5 / 0.5) - 1.0)


def _match_kernel(pr_ref, tr_ref, btv_ref, bti_ref, bpi_ref):
    tr = tr_ref[0]
    tx1 = tr[:, 0:1]
    ty1 = tr[:, 1:2]
    tx2 = tr[:, 2:3]
    ty2 = tr[:, 3:4]
    pr = pr_ref[...]
    cx = pr[0:1]
    cy = pr[1:2]
    w = pr[2:3]
    h = pr[3:4]
    px1 = cx - w / 2.0
    py1 = cy - h / 2.0
    px2 = cx + w / 2.0
    py2 = cy + h / 2.0
    iw = jnp.maximum(jnp.minimum(tx2, px2) - jnp.maximum(tx1, px1), 0.0)
    ih = jnp.maximum(jnp.minimum(ty2, py2) - jnp.maximum(ty1, py1), 0.0)
    inter = iw * ih
    area_t = (tx2 - tx1) * (ty2 - ty1)
    area_p = (px2 - px1) * (py2 - py1)
    ov = inter / (area_t + area_p - inter)

    btv = jnp.max(ov, axis=0, keepdims=True)
    ti = lax.broadcasted_iota(jnp.int32, ov.shape, 0)
    bti = jnp.min(jnp.where(ov == btv, ti, TT), axis=0, keepdims=True)
    btv_ref[0] = btv
    bti_ref[0] = bti

    rmax = jnp.max(ov, axis=1, keepdims=True)
    pi = lax.broadcasted_iota(jnp.int32, ov.shape, 1)
    rarg = jnp.min(jnp.where(ov == rmax, pi, PP), axis=1, keepdims=True)

    rarg_f = rarg.astype(jnp.float32)
    rarg_row = rarg_f.T
    t_c = lax.broadcasted_iota(jnp.int32, (TT, TT), 0)
    t_l = lax.broadcasted_iota(jnp.int32, (TT, TT), 1)
    eqm = jnp.where((rarg_row == rarg_f) & (t_l > t_c), 1, 0)
    dup = jnp.max(eqm, axis=1, keepdims=True) > 0
    tcol = lax.broadcasted_iota(jnp.int32, (TT, 1), 0)
    bpi_ref[0] = jnp.where(dup, PP + tcol, rarg)


def _sc_match(bti_hbm, btv_hbm, bpi_hbm, tt_hbm, btv2_hbm, m5_hbm,
              bti_v, btv_v, bpi_v, tr0, tr1, tr2, tr3, tr4,
              o0, o1, o2, o3, o4):
    wid = lax.axis_index("s") * 2 + lax.axis_index("c")
    n = wid // 2
    half = wid % 2
    base = half * HALF
    trs = (tr0, tr1, tr2, tr3, tr4)
    outs = (o0, o1, o2, o3, o4)
    pltpu.sync_copy(bti_hbm.at[n, 0, pl.ds(base, HALF)], bti_v)
    pltpu.sync_copy(btv_hbm.at[n, 0, pl.ds(base, HALF)], btv_v)
    pltpu.sync_copy(bpi_hbm.at[n, 0], bpi_v)
    for c in range(5):
        pltpu.sync_copy(tt_hbm.at[n, c, 0], trs[c])

    for hh in range(2):
        bp = bpi_v[pl.ds(hh * 16, 16)]
        il = bp - base
        mask = (il >= 0) & (il < HALF)
        ilc = jnp.clip(il, 0, HALF - 1)
        tvals = lax.iota(jnp.int32, 16) + (hh * 16)
        plsc.store_scatter(bti_v, [ilc], tvals, mask=mask)
        plsc.store_scatter(btv_v, [ilc], jnp.full((16,), 2.0, jnp.float32),
                           mask=mask)
    pltpu.sync_copy(btv_v, btv2_hbm.at[n, 0, pl.ds(base, HALF)])

    def body(i, carry):
        off = pl.multiple_of(i * 16, 16)
        idx = bti_v[pl.ds(off, 16)]
        for c in range(5):
            outs[c][pl.ds(off, 16)] = plsc.load_gather(trs[c], [idx])
        return carry

    lax.fori_loop(0, HALF // 16, body, 0)
    for c in range(5):
        pltpu.sync_copy(outs[c], m5_hbm.at[n, c, 0, pl.ds(base, HALF)])


def _loss_kernel(conf_ref, loct_ref, pr_ref, btv_ref, m5_ref,
                 out_l, out_c, out_n):
    n = pl.program_id(0)
    j = pl.program_id(1)
    first = jnp.logical_and(n == 0, j == 0)

    btv = btv_ref[0]
    m5 = m5_ref[0]

    pos = btv >= 0.5
    neg = btv < 0.4
    posf = pos.astype(jnp.float32)
    pnf = (pos | neg).astype(jnp.float32)

    pr = pr_ref[...]
    cx = pr[0:1]
    cy = pr[1:2]
    w = pr[2:3]
    h = pr[3:4]
    mx1 = m5[0:1]
    my1 = m5[1:2]
    mx2 = m5[2:3]
    my2 = m5[3:4]
    gcx = ((mx1 + mx2) / 2.0 - cx) / (0.1 * w)
    gcy = ((my1 + my2) / 2.0 - cy) / (0.1 * h)
    gw = jnp.log((mx2 - mx1) / w) / 0.2
    gh = jnp.log((my2 - my1) / h) / 0.2
    enc = jnp.concatenate([gcx, gcy, gw, gh], axis=0)

    diff = jnp.abs(loct_ref[0] - enc)
    ll = jnp.where(
        diff < 0.11,
        0.5 / _BAL_B * (_BAL_B * diff + 1.0) * jnp.log(_BAL_B * diff / 0.11 + 1.0)
        - 0.5 * diff,
        1.5 * diff + 1.5 / _BAL_B - 0.5 * 0.11)
    ll_sum = jnp.sum(ll * posf)

    kpos = jnp.where(pos, m5[4:5], -1.0)
    stacked = jnp.concatenate(
        [pnf, kpos, jnp.zeros((6, BCB), jnp.float32)], axis=0)
    cols = stacked.T
    pnc = cols[:, 0:1]
    kc = cols[:, 1:2]

    x = conf_ref[0]
    e = jnp.exp(-jnp.abs(x))
    u = 1.0 + e
    l1pe = jnp.log(u)
    ce0 = jnp.maximum(x, 0.0) + l1pe
    r = 1.0 / u
    er = e * r
    p = jnp.where(x >= 0, r, er)
    a75 = ce0 * (p * 0.75)
    b25 = (ce0 - x) * (0.25 - 0.25 * p)
    ciota = lax.broadcasted_iota(
        jnp.int32, (BCB, CC), 1).astype(jnp.float32)
    eqf = jnp.where(ciota == kc, 1.0, 0.0)
    contrib = a75 * (pnc - eqf) + b25 * eqf
    c_sum = jnp.sum(contrib)
    n_sum = jnp.sum(posf)

    @pl.when(first)
    def _():
        out_l[...] = jnp.zeros((1, 1), jnp.float32)
        out_c[...] = jnp.zeros((1, 1), jnp.float32)
        out_n[...] = jnp.zeros((1, 1), jnp.float32)

    out_l[...] += ll_sum.reshape(1, 1)
    out_c[...] += c_sum.reshape(1, 1)
    out_n[...] += n_sum.reshape(1, 1)


def _run(loc_data, conf_data, priors, targets, interpret=False):
    priors_t = priors.T
    loc_tr = jnp.transpose(loc_data, (0, 2, 1))
    btv, bti, bpi = pl.pallas_call(
        _match_kernel,
        grid=(NUMI, PP // BPA),
        in_specs=[
            pl.BlockSpec((4, BPA), lambda n, j: (0, j)),
            pl.BlockSpec((1, TT, 5), lambda n, j: (n, 0, 0)),
        ],
        out_specs=[
            pl.BlockSpec((1, 1, BPA), lambda n, j: (n, 0, j)),
            pl.BlockSpec((1, 1, BPA), lambda n, j: (n, 0, j)),
            pl.BlockSpec((1, TT, 1), lambda n, j: (n, 0, 0)),
        ],
        out_shape=[
            jax.ShapeDtypeStruct((NUMI, 1, PP), jnp.float32),
            jax.ShapeDtypeStruct((NUMI, 1, PP), jnp.int32),
            jax.ShapeDtypeStruct((NUMI, TT, 1), jnp.int32),
        ],
        interpret=interpret,
    )(priors_t, targets)

    tt = jnp.transpose(targets, (0, 2, 1)).reshape(NUMI, 5, 1, TT)
    sc_call = functools.partial(
        pl.kernel,
        out_type=[
            jax.ShapeDtypeStruct((NUMI, 1, PP), jnp.float32),
            jax.ShapeDtypeStruct((NUMI, 5, 1, PP), jnp.float32),
        ],
        mesh=plsc.VectorSubcoreMesh(core_axis_name="c", subcore_axis_name="s"),
        compiler_params=pltpu.CompilerParams(needs_layout_passes=False),
        scratch_types=[
            pltpu.VMEM((HALF,), jnp.int32),
            pltpu.VMEM((HALF,), jnp.float32),
            pltpu.VMEM((TT,), jnp.int32),
            pltpu.VMEM((TT,), jnp.float32),
            pltpu.VMEM((TT,), jnp.float32),
            pltpu.VMEM((TT,), jnp.float32),
            pltpu.VMEM((TT,), jnp.float32),
            pltpu.VMEM((TT,), jnp.float32),
            pltpu.VMEM((HALF,), jnp.float32),
            pltpu.VMEM((HALF,), jnp.float32),
            pltpu.VMEM((HALF,), jnp.float32),
            pltpu.VMEM((HALF,), jnp.float32),
            pltpu.VMEM((HALF,), jnp.float32),
        ],
    )(_sc_match)
    btv2, m5 = sc_call(bti, btv, bpi.reshape(NUMI, 1, TT), tt)
    m5 = m5.reshape(NUMI, 5, PP)

    sl, sc, sn = pl.pallas_call(
        _loss_kernel,
        grid=(NUMI, PP // BCB),
        in_specs=[
            pl.BlockSpec((1, BCB, CC), lambda n, j: (n, j, 0)),
            pl.BlockSpec((1, 4, BCB), lambda n, j: (n, 0, j)),
            pl.BlockSpec((4, BCB), lambda n, j: (0, j)),
            pl.BlockSpec((1, 1, BCB), lambda n, j: (n, 0, j)),
            pl.BlockSpec((1, 5, BCB), lambda n, j: (n, 0, j)),
        ],
        out_specs=[
            pl.BlockSpec((1, 1), lambda n, j: (0, 0)),
            pl.BlockSpec((1, 1), lambda n, j: (0, 0)),
            pl.BlockSpec((1, 1), lambda n, j: (0, 0)),
        ],
        out_shape=[
            jax.ShapeDtypeStruct((1, 1), jnp.float32),
            jax.ShapeDtypeStruct((1, 1), jnp.float32),
            jax.ShapeDtypeStruct((1, 1), jnp.float32),
        ],
        interpret=interpret,
    )(conf_data, loc_tr, priors_t, btv2, m5)

    pos_num = jnp.maximum(sn[0, 0], 1.0)
    loss_l = sl[0, 0] / (pos_num * 4.0)
    loss_c = sc[0, 0] / pos_num
    return (loss_l, loss_c)


@jax.jit
def kernel(loc_data, conf_data, priors, targets):
    return _run(loc_data, conf_data, priors, targets)

# --- scband reference (transcript-rebuilt; emitter-appended) ---
"""Pipeline reference for scband-multi-box-loss-36859409335038 (READ-ONLY COPY).

The authoritative reference and input builder live on the scoring server;
editing this copy changes nothing except your own understanding.
"""

import jax, jax.numpy as jnp
import numpy as np

NUM = 16
P = 16384
T = 32
C = 80  # num_classes - 1


def point_form(boxes):
    return jnp.concatenate([boxes[:, :2] - boxes[:, 2:] / 2.0,
                            boxes[:, :2] + boxes[:, 2:] / 2.0], axis=1)


def intersect(box_a, box_b):
    max_xy = jnp.minimum(box_a[:, None, 2:], box_b[None, :, 2:])
    min_xy = jnp.maximum(box_a[:, None, :2], box_b[None, :, :2])
    inter = jnp.clip(max_xy - min_xy, 0.0, None)
    return inter[..., 0] * inter[..., 1]


def jaccard(box_a, box_b):
    inter = intersect(box_a, box_b)
    area_a = ((box_a[:, 2] - box_a[:, 0]) * (box_a[:, 3] - box_a[:, 1]))[:, None]
    area_b = ((box_b[:, 2] - box_b[:, 0]) * (box_b[:, 3] - box_b[:, 1]))[None, :]
    union = area_a + area_b - inter
    return inter / union


def encode(matched, priors):
    variances = (0.1, 0.2)
    g_cxcy = (matched[:, :2] + matched[:, 2:]) / 2.0 - priors[:, :2]
    g_cxcy = g_cxcy / (variances[0] * priors[:, 2:])
    g_wh = (matched[:, 2:] - matched[:, :2]) / priors[:, 2:]
    g_wh = jnp.log(g_wh) / variances[1]
    return jnp.concatenate([g_cxcy, g_wh], axis=1)


def match_single(truths, labels, priors):
    overlaps = jaccard(truths, point_form(priors))  # [T, P]
    best_prior_idx = jnp.argmax(overlaps, axis=1)   # [T]
    best_truth_overlap = jnp.max(overlaps, axis=0)  # [P]
    best_truth_idx = jnp.argmax(overlaps, axis=0)   # [P]
    best_truth_overlap = best_truth_overlap.at[best_prior_idx].set(2.0)
    best_truth_idx = best_truth_idx.at[best_prior_idx].set(jnp.arange(truths.shape[0]))
    matches = truths[best_truth_idx]                # [P, 4]
    conf = labels[best_truth_idx] + 1               # [P]
    return matches, conf, best_truth_overlap


def focal_loss_elem(logits, targets, alpha=0.25, gamma=1.0):
    p = jax.nn.sigmoid(logits)
    ce = jnp.maximum(logits, 0.0) - logits * targets + jnp.log1p(jnp.exp(-jnp.abs(logits)))
    p_t = p * targets + (1.0 - p) * (1.0 - targets)
    alpha_t = alpha * targets + (1.0 - alpha) * (1.0 - targets)
    return alpha_t * ce * (1.0 - p_t) ** gamma


def balanced_l1_elem(pred, target, alpha=0.5, gamma=1.5, beta=0.11):
    diff = jnp.abs(pred - target)
    b = np.e ** (gamma / alpha) - 1.0
    loss = jnp.where(
        diff < beta,
        alpha / b * (b * diff + 1.0) * jnp.log(b * diff / beta + 1.0) - alpha * diff,
        gamma * diff + gamma / b - alpha * beta)
    return loss


def setup_inputs(seed: int = 0) -> dict:
    key = jax.random.key(seed)
    k1, k2, k3, k4, k5, k6, k7 = jax.random.split(key, 7)
    loc_data = jax.random.normal(k1, (NUM, P, 4), dtype=jnp.float32)
    conf_data = jax.random.normal(k2, (NUM, P, C), dtype=jnp.float32)
    cxcy = jax.random.uniform(k3, (P, 2), minval=0.05, maxval=0.95)
    wh = jax.random.uniform(k4, (P, 2), minval=0.05, maxval=0.4)
    priors = jnp.concatenate([cxcy, wh], axis=1).astype(jnp.float32)
    bxy = jax.random.uniform(k5, (NUM, T, 2), minval=0.0, maxval=0.7)
    bwh = jax.random.uniform(k6, (NUM, T, 2), minval=0.05, maxval=0.3)
    boxes = jnp.concatenate([bxy, bxy + bwh], axis=2)
    labels = jax.random.randint(k7, (NUM, T), 0, C).astype(jnp.float32)
    targets = jnp.concatenate([boxes, labels[..., None]], axis=2).astype(jnp.float32)
    return {"loc_data": loc_data, "conf_data": conf_data, "priors": priors, "targets": targets}


def reference(loc_data, conf_data, priors, targets):
    num = loc_data.shape[0]
    num_priors = priors.shape[0]
    truths = targets[:, :, :4]
    labels = targets[:, :, 4].astype(jnp.int32)
    loc_t, conf_t, overlap_t = jax.vmap(lambda t, l: match_single(t, l, priors))(truths, labels)
    loc_t = jax.lax.stop_gradient(loc_t)
    conf_t = jax.lax.stop_gradient(conf_t)
    overlap_t = jax.lax.stop_gradient(overlap_t)

    pos = overlap_t >= 0.5
    ign = (overlap_t < 0.5) & (overlap_t >= 0.4)
    neg = overlap_t < 0.4
    pos_num = jnp.maximum(pos.astype(jnp.float32).sum(), 1.0)

    defaults = jnp.broadcast_to(priors[None, :, :], (num, num_priors, 4))
    loc_t_enc = encode(loc_t.reshape(-1, 4), defaults.reshape(-1, 4)).reshape(num, num_priors, 4)
    loc_t_enc = jax.lax.stop_gradient(loc_t_enc)
    ll = balanced_l1_elem(loc_data, loc_t_enc)
    loss_l = (ll * pos[..., None].astype(jnp.float32)).sum() / (pos_num * 4.0)

    conf_t = jnp.where(ign | neg, 0, conf_t)
    conf_label = jax.nn.one_hot(conf_t, C + 1, dtype=jnp.float32)[..., 1:]
    conf_label = jax.lax.stop_gradient(conf_label)
    fl = focal_loss_elem(conf_data, conf_label)
    posneg = (pos | neg)[..., None].astype(jnp.float32)
    loss_c = (fl * posneg).sum() / pos_num
    return (loss_l, loss_c)

if __name__ == "__main__":
    import jax
    _d = setup_inputs()
    print(jax.jit(kernel)(*tuple(_d.values())))

</pallas_src>

<mosaic_0001>
#map = affine_map<(d0, d1) -> (0, 0, 0)>
#map1 = affine_map<(d0, d1) -> (0, 0, 0, 0)>
module attributes {stable_mosaic.version = 14 : i64} {
  func.func @_sc_match(%arg0: i32, %arg1: i32, %arg2: memref<16x1x16384xi32, #tpu.memory_space<hbm>>, %arg3: memref<16x1x16384xf32, #tpu.memory_space<hbm>>, %arg4: memref<16x1x32xi32, #tpu.memory_space<hbm>>, %arg5: memref<16x5x1x32xf32, #tpu.memory_space<hbm>>, %arg6: memref<16x1x16384xf32, #tpu.memory_space<hbm>>, %arg7: memref<16x5x1x16384xf32, #tpu.memory_space<hbm>>, %arg8: memref<8192xi32, #tpu.memory_space<vmem>>, %arg9: memref<8192xf32, #tpu.memory_space<vmem>>, %arg10: memref<32xi32, #tpu.memory_space<vmem>>, %arg11: memref<32xf32, #tpu.memory_space<vmem>>, %arg12: memref<32xf32, #tpu.memory_space<vmem>>, %arg13: memref<32xf32, #tpu.memory_space<vmem>>, %arg14: memref<32xf32, #tpu.memory_space<vmem>>, %arg15: memref<32xf32, #tpu.memory_space<vmem>>, %arg16: memref<8192xf32, #tpu.memory_space<vmem>>, %arg17: memref<8192xf32, #tpu.memory_space<vmem>>, %arg18: memref<8192xf32, #tpu.memory_space<vmem>>, %arg19: memref<8192xf32, #tpu.memory_space<vmem>>, %arg20: memref<8192xf32, #tpu.memory_space<vmem>>) attributes {dimension_semantics = [#tpu.dimension_semantics<core_parallel>, #tpu.dimension_semantics<subcore_parallel>], iteration_bounds = array<i64: 2, 16>, scalar_prefetch = 0 : i64, scratch_operands = 13 : i64, tpu.core_type = #tpu.core_type<sc_vector_subcore>, window_params = [{transform_indices = #map}, {transform_indices = #map}, {transform_indices = #map}, {transform_indices = #map1}, {transform_indices = #map}, {transform_indices = #map1}]} {
    %mul3A = arith.constant 2 : i32
    %mul3A_0 = arith.muli %arg1, %mul3A : i32
    %add3A = arith.addi %mul3A_0, %arg0 : i32
    %jit3A = arith.constant 2 : i32
    %div3A = arith.divsi %add3A, %jit3A : i32
    %sign3A = arith.constant 0 : i32
    %sign3A_1 = arith.cmpi sgt, %add3A, %sign3A : i32
    %sign3A_2 = arith.extui %sign3A_1 : i1 to i32
    %sign3A_3 = arith.constant 0 : i32
    %sign3A_4 = arith.cmpi slt, %add3A, %sign3A_3 : i32
    %sign3A_5 = arith.extui %sign3A_4 : i1 to i32
    %sign3A_6 = arith.subi %sign3A_2, %sign3A_5 : i32
    %sign3A_7 = arith.constant 0 : i32
    %sign3A_8 = arith.cmpi sgt, %jit3A, %sign3A_7 : i32
    %sign3A_9 = arith.extui %sign3A_8 : i1 to i32
    %sign3A_10 = arith.constant 0 : i32
    %sign3A_11 = arith.cmpi slt, %jit3A, %sign3A_10 : i32
    %sign3A_12 = arith.extui %sign3A_11 : i1 to i32
    %sign3A_13 = arith.subi %sign3A_9, %sign3A_12 : i32
    %ne3A = arith.cmpi ne, %sign3A_6, %sign3A_13 : i32
    %rem3A = arith.remsi %add3A, %jit3A : i32
    %ne3A_14 = arith.constant 0 : i32
    %ne3A_15 = arith.cmpi ne, %rem3A, %ne3A_14 : i32
    %and3A = arith.andi %ne3A, %ne3A_15 : i1
    %sub3A = arith.constant 1 : i32
    %sub3A_16 = arith.subi %div3A, %sub3A : i32
    %select_n3A = arith.select %and3A, %sub3A_16, %div3A : i32
    %jit3A_17 = arith.constant 2 : i32
    %eq3A = arith.constant 0 : i32
    %eq3A_18 = arith.cmpi eq, %jit3A_17, %eq3A : i32
    %jit3A_19 = arith.constant 1 : i32
    %select_n3A_20 = arith.select %eq3A_18, %jit3A_19, %jit3A_17 : i32
    %rem3A_21 = arith.remsi %add3A, %select_n3A_20 : i32
    %ne3A_22 = arith.constant 0 : i32
    %ne3A_23 = arith.cmpi ne, %rem3A_21, %ne3A_22 : i32
    %lt3A = arith.constant 0 : i32
    %lt3A_24 = arith.cmpi slt, %rem3A_21, %lt3A : i32
    %lt3A_25 = arith.constant 0 : i32
    %lt3A_26 = arith.cmpi slt, %select_n3A_20, %lt3A_25 : i32
    %ne3A_27 = arith.xori %lt3A_24, %lt3A_26 : i1
    %and3A_28 = arith.andi %ne3A_27, %ne3A_23 : i1
    %add3A_29 = arith.addi %rem3A_21, %select_n3A_20 : i32
    %select_n3A_30 = arith.select %and3A_28, %add3A_29, %rem3A_21 : i32
    %mul3A_31 = arith.constant 8192 : i32
    %mul3A_32 = arith.muli %select_n3A_30, %mul3A_31 : i32
    %run_scoped3A = arith.constant 0 : i32
    "tpu.region"() ({
      %run_scoped3A_101 = tpu.sem_alloc : memref<!tpu.dma_semaphore, #tpu.memory_space<semaphore_mem>>
      %dma_start3A = tpu.memref_slice %arg2[%select_n3A, %run_scoped3A, %mul3A_32] : memref<16x1x16384xi32, #tpu.memory_space<hbm>> -> memref<1x1x8192xi32, #tpu.memory_space<hbm>>
      %dma_start3A_102 = tpu.memref_squeeze %dma_start3A : memref<1x1x8192xi32, #tpu.memory_space<hbm>> -> memref<8192xi32, #tpu.memory_space<hbm>>
      %dma_start3A_103 = tpu.memref_slice %arg2[%select_n3A, %run_scoped3A, %mul3A_32] : memref<16x1x16384xi32, #tpu.memory_space<hbm>> -> memref<1x1x8192xi32, #tpu.memory_space<hbm>>
      %dma_start3A_104 = tpu.memref_squeeze %dma_start3A_103 : memref<1x1x8192xi32, #tpu.memory_space<hbm>> -> memref<8192xi32, #tpu.memory_space<hbm>>
      tpu.enqueue_dma source(%dma_start3A_104 : memref<8192xi32, #tpu.memory_space<hbm>>) target(%arg8 : memref<8192xi32, #tpu.memory_space<vmem>>) target_semaphore(%run_scoped3A_101 : memref<!tpu.dma_semaphore, #tpu.memory_space<semaphore_mem>>)
      %dma_wait3A = tpu.memref_slice %arg2[%select_n3A, %run_scoped3A, %mul3A_32] : memref<16x1x16384xi32, #tpu.memory_space<hbm>> -> memref<1x1x8192xi32, #tpu.memory_space<hbm>>
      %dma_wait3A_105 = tpu.memref_squeeze %dma_wait3A : memref<1x1x8192xi32, #tpu.memory_space<hbm>> -> memref<8192xi32, #tpu.memory_space<hbm>>
      %dma_wait3A_106 = tpu.memref_slice %arg2[%select_n3A, %run_scoped3A, %mul3A_32] : memref<16x1x16384xi32, #tpu.memory_space<hbm>> -> memref<1x1x8192xi32, #tpu.memory_space<hbm>>
      %dma_wait3A_107 = tpu.memref_squeeze %dma_wait3A_106 : memref<1x1x8192xi32, #tpu.memory_space<hbm>> -> memref<8192xi32, #tpu.memory_space<hbm>>
      tpu.wait_dma2 semaphore(%run_scoped3A_101 : memref<!tpu.dma_semaphore, #tpu.memory_space<semaphore_mem>>) src(%dma_wait3A_107 : memref<8192xi32, #tpu.memory_space<hbm>>) dst(%arg8 : memref<8192xi32, #tpu.memory_space<vmem>>)
      tpu.yield
    }) : () -> ()
    %run_scoped3A_33 = arith.constant 0 : i32
    "tpu.region"() ({
      %run_scoped3A_101 = tpu.sem_alloc : memref<!tpu.dma_semaphore, #tpu.memory_space<semaphore_mem>>
      %dma_start3A = tpu.memref_slice %arg3[%select_n3A, %run_scoped3A_33, %mul3A_32] : memref<16x1x16384xf32, #tpu.memory_space<hbm>> -> memref<1x1x8192xf32, #tpu.memory_space<hbm>>
      %dma_start3A_102 = tpu.memref_squeeze %dma_start3A : memref<1x1x8192xf32, #tpu.memory_space<hbm>> -> memref<8192xf32, #tpu.memory_space<hbm>>
      %dma_start3A_103 = tpu.memref_slice %arg3[%select_n3A, %run_scoped3A_33, %mul3A_32] : memref<16x1x16384xf32, #tpu.memory_space<hbm>> -> memref<1x1x8192xf32, #tpu.memory_space<hbm>>
      %dma_start3A_104 = tpu.memref_squeeze %dma_start3A_103 : memref<1x1x8192xf32, #tpu.memory_space<hbm>> -> memref<8192xf32, #tpu.memory_space<hbm>>
      tpu.enqueue_dma source(%dma_start3A_104 : memref<8192xf32, #tpu.memory_space<hbm>>) target(%arg9 : memref<8192xf32, #tpu.memory_space<vmem>>) target_semaphore(%run_scoped3A_101 : memref<!tpu.dma_semaphore, #tpu.memory_space<semaphore_mem>>)
      %dma_wait3A = tpu.memref_slice %arg3[%select_n3A, %run_scoped3A_33, %mul3A_32] : memref<16x1x16384xf32, #tpu.memory_space<hbm>> -> memref<1x1x8192xf32, #tpu.memory_space<hbm>>
      %dma_wait3A_105 = tpu.memref_squeeze %dma_wait3A : memref<1x1x8192xf32, #tpu.memory_space<hbm>> -> memref<8192xf32, #tpu.memory_space<hbm>>
      %dma_wait3A_106 = tpu.memref_slice %arg3[%select_n3A, %run_scoped3A_33, %mul3A_32] : memref<16x1x16384xf32, #tpu.memory_space<hbm>> -> memref<1x1x8192xf32, #tpu.memory_space<hbm>>
      %dma_wait3A_107 = tpu.memref_squeeze %dma_wait3A_106 : memref<1x1x8192xf32, #tpu.memory_space<hbm>> -> memref<8192xf32, #tpu.memory_space<hbm>>
      tpu.wait_dma2 semaphore(%run_scoped3A_101 : memref<!tpu.dma_semaphore, #tpu.memory_space<semaphore_mem>>) src(%dma_wait3A_107 : memref<8192xf32, #tpu.memory_space<hbm>>) dst(%arg9 : memref<8192xf32, #tpu.memory_space<vmem>>)
      tpu.yield
    }) : () -> ()
    %run_scoped3A_34 = arith.constant 0 : i32
    "tpu.region"() ({
      %run_scoped3A_101 = tpu.sem_alloc : memref<!tpu.dma_semaphore, #tpu.memory_space<semaphore_mem>>
      %dma_start3A = arith.constant 0 : i32
      %dma_start3A_102 = tpu.memref_slice %arg4[%select_n3A, %run_scoped3A_34, %dma_start3A] : memref<16x1x32xi32, #tpu.memory_space<hbm>> -> memref<1x1x32xi32, #tpu.memory_space<hbm>>
      %dma_start3A_103 = tpu.memref_squeeze %dma_start3A_102 : memref<1x1x32xi32, #tpu.memory_space<hbm>> -> memref<32xi32, #tpu.memory_space<hbm>>
      %dma_start3A_104 = arith.constant 0 : i32
      %dma_start3A_105 = tpu.memref_slice %arg4[%select_n3A, %run_scoped3A_34, %dma_start3A_104] : memref<16x1x32xi32, #tpu.memory_space<hbm>> -> memref<1x1x32xi32, #tpu.memory_space<hbm>>
      %dma_start3A_106 = tpu.memref_squeeze %dma_start3A_105 : memref<1x1x32xi32, #tpu.memory_space<hbm>> -> memref<32xi32, #tpu.memory_space<hbm>>
      tpu.enqueue_dma source(%dma_start3A_106 : memref<32xi32, #tpu.memory_space<hbm>>) target(%arg10 : memref<32xi32, #tpu.memory_space<vmem>>) target_semaphore(%run_scoped3A_101 : memref<!tpu.dma_semaphore, #tpu.memory_space<semaphore_mem>>)
      %dma_wait3A = arith.constant 0 : i32
      %dma_wait3A_107 = tpu.memref_slice %arg4[%select_n3A, %run_scoped3A_34, %dma_wait3A] : memref<16x1x32xi32, #tpu.memory_space<hbm>> -> memref<1x1x32xi32, #tpu.memory_space<hbm>>
      %dma_wait3A_108 = tpu.memref_squeeze %dma_wait3A_107 : memref<1x1x32xi32, #tpu.memory_space<hbm>> -> memref<32xi32, #tpu.memory_space<hbm>>
      %dma_wait3A_109 = arith.constant 0 : i32
      %dma_wait3A_110 = tpu.memref_slice %arg4[%select_n3A, %run_scoped3A_34, %dma_wait3A_109] : memref<16x1x32xi32, #tpu.memory_space<hbm>> -> memref<1x1x32xi32, #tpu.memory_space<hbm>>
      %dma_wait3A_111 = tpu.memref_squeeze %dma_wait3A_110 : memref<1x1x32xi32, #tpu.memory_space<hbm>> -> memref<32xi32, #tpu.memory_space<hbm>>
      tpu.wait_dma2 semaphore(%run_scoped3A_101 : memref<!tpu.dma_semaphore, #tpu.memory_space<semaphore_mem>>) src(%dma_wait3A_111 : memref<32xi32, #tpu.memory_space<hbm>>) dst(%arg10 : memref<32xi32, #tpu.memory_space<vmem>>)
      tpu.yield
    }) : () -> ()
    %run_scoped3A_35 = arith.constant 0 : i32
    %run_scoped3A_36 = arith.constant 0 : i32
    "tpu.region"() ({
      %run_scoped3A_101 = tpu.sem_alloc : memref<!tpu.dma_semaphore, #tpu.memory_space<semaphore_mem>>
      %dma_start3A = arith.constant 0 : i32
      %dma_start3A_102 = tpu.memref_slice %arg5[%select_n3A, %run_scoped3A_35, %run_scoped3A_36, %dma_start3A] : memref<16x5x1x32xf32, #tpu.memory_space<hbm>> -> memref<1x1x1x32xf32, #tpu.memory_space<hbm>>
      %dma_start3A_103 = tpu.memref_squeeze %dma_start3A_102 : memref<1x1x1x32xf32, #tpu.memory_space<hbm>> -> memref<32xf32, #tpu.memory_space<hbm>>
      %dma_start3A_104 = arith.constant 0 : i32
      %dma_start3A_105 = tpu.memref_slice %arg5[%select_n3A, %run_scoped3A_35, %run_scoped3A_36, %dma_start3A_104] : memref<16x5x1x32xf32, #tpu.memory_space<hbm>> -> memref<1x1x1x32xf32, #tpu.memory_space<hbm>>
      %dma_start3A_106 = tpu.memref_squeeze %dma_start3A_105 : memref<1x1x1x32xf32, #tpu.memory_space<hbm>> -> memref<32xf32, #tpu.memory_space<hbm>>
      tpu.enqueue_dma source(%dma_start3A_106 : memref<32xf32, #tpu.memory_space<hbm>>) target(%arg11 : memref<32xf32, #tpu.memory_space<vmem>>) target_semaphore(%run_scoped3A_101 : memref<!tpu.dma_semaphore, #tpu.memory_space<semaphore_mem>>)
      %dma_wait3A = arith.constant 0 : i32
      %dma_wait3A_107 = tpu.memref_slice %arg5[%select_n3A, %run_scoped3A_35, %run_scoped3A_36, %dma_wait3A] : memref<16x5x1x32xf32, #tpu.memory_space<hbm>> -> memref<1x1x1x32xf32, #tpu.memory_space<hbm>>
      %dma_wait3A_108 = tpu.memref_squeeze %dma_wait3A_107 : memref<1x1x1x32xf32, #tpu.memory_space<hbm>> -> memref<32xf32, #tpu.memory_space<hbm>>
      %dma_wait3A_109 = arith.constant 0 : i32
      %dma_wait3A_110 = tpu.memref_slice %arg5[%select_n3A, %run_scoped3A_35, %run_scoped3A_36, %dma_wait3A_109] : memref<16x5x1x32xf32, #tpu.memory_space<hbm>> -> memref<1x1x1x32xf32, #tpu.memory_space<hbm>>
      %dma_wait3A_111 = tpu.memref_squeeze %dma_wait3A_110 : memref<1x1x1x32xf32, #tpu.memory_space<hbm>> -> memref<32xf32, #tpu.memory_space<hbm>>
      tpu.wait_dma2 semaphore(%run_scoped3A_101 : memref<!tpu.dma_semaphore, #tpu.memory_space<semaphore_mem>>) src(%dma_wait3A_111 : memref<32xf32, #tpu.memory_space<hbm>>) dst(%arg11 : memref<32xf32, #tpu.memory_space<vmem>>)
      tpu.yield
    }) : () -> ()
    %run_scoped3A_37 = arith.constant 1 : i32
    %run_scoped3A_38 = arith.constant 0 : i32
    "tpu.region"() ({
      %run_scoped3A_101 = tpu.sem_alloc : memref<!tpu.dma_semaphore, #tpu.memory_space<semaphore_mem>>
      %dma_start3A = arith.constant 0 : i32
      %dma_start3A_102 = tpu.memref_slice %arg5[%select_n3A, %run_scoped3A_37, %run_scoped3A_38, %dma_start3A] : memref<16x5x1x32xf32, #tpu.memory_space<hbm>> -> memref<1x1x1x32xf32, #tpu.memory_space<hbm>>
      %dma_start3A_103 = tpu.memref_squeeze %dma_start3A_102 : memref<1x1x1x32xf32, #tpu.memory_space<hbm>> -> memref<32xf32, #tpu.memory_space<hbm>>
      %dma_start3A_104 = arith.constant 0 : i32
      %dma_start3A_105 = tpu.memref_slice %arg5[%select_n3A, %run_scoped3A_37, %run_scoped3A_38, %dma_start3A_104] : memref<16x5x1x32xf32, #tpu.memory_space<hbm>> -> memref<1x1x1x32xf32, #tpu.memory_space<hbm>>
      %dma_start3A_106 = tpu.memref_squeeze %dma_start3A_105 : memref<1x1x1x32xf32, #tpu.memory_space<hbm>> -> memref<32xf32, #tpu.memory_space<hbm>>
      tpu.enqueue_dma source(%dma_start3A_106 : memref<32xf32, #tpu.memory_space<hbm>>) target(%arg12 : memref<32xf32, #tpu.memory_space<vmem>>) target_semaphore(%run_scoped3A_101 : memref<!tpu.dma_semaphore, #tpu.memory_space<semaphore_mem>>)
      %dma_wait3A = arith.constant 0 : i32
      %dma_wait3A_107 = tpu.memref_slice %arg5[%select_n3A, %run_scoped3A_37, %run_scoped3A_38, %dma_wait3A] : memref<16x5x1x32xf32, #tpu.memory_space<hbm>> -> memref<1x1x1x32xf32, #tpu.memory_space<hbm>>
      %dma_wait3A_108 = tpu.memref_squeeze %dma_wait3A_107 : memref<1x1x1x32xf32, #tpu.memory_space<hbm>> -> memref<32xf32, #tpu.memory_space<hbm>>
      %dma_wait3A_109 = arith.constant 0 : i32
      %dma_wait3A_110 = tpu.memref_slice %arg5[%select_n3A, %run_scoped3A_37, %run_scoped3A_38, %dma_wait3A_109] : memref<16x5x1x32xf32, #tpu.memory_space<hbm>> -> memref<1x1x1x32xf32, #tpu.memory_space<hbm>>
      %dma_wait3A_111 = tpu.memref_squeeze %dma_wait3A_110 : memref<1x1x1x32xf32, #tpu.memory_space<hbm>> -> memref<32xf32, #tpu.memory_space<hbm>>
      tpu.wait_dma2 semaphore(%run_scoped3A_101 : memref<!tpu.dma_semaphore, #tpu.memory_space<semaphore_mem>>) src(%dma_wait3A_111 : memref<32xf32, #tpu.memory_space<hbm>>) dst(%arg12 : memref<32xf32, #tpu.memory_space<vmem>>)
      tpu.yield
    }) : () -> ()
    %run_scoped3A_39 = arith.constant 2 : i32
    %run_scoped3A_40 = arith.constant 0 : i32
    "tpu.region"() ({
      %run_scoped3A_101 = tpu.sem_alloc : memref<!tpu.dma_semaphore, #tpu.memory_space<semaphore_mem>>
      %dma_start3A = arith.constant 0 : i32
      %dma_start3A_102 = tpu.memref_slice %arg5[%select_n3A, %run_scoped3A_39, %run_scoped3A_40, %dma_start3A] : memref<16x5x1x32xf32, #tpu.memory_space<hbm>> -> memref<1x1x1x32xf32, #tpu.memory_space<hbm>>
      %dma_start3A_103 = tpu.memref_squeeze %dma_start3A_102 : memref<1x1x1x32xf32, #tpu.memory_space<hbm>> -> memref<32xf32, #tpu.memory_space<hbm>>
      %dma_start3A_104 = arith.constant 0 : i32
      %dma_start3A_105 = tpu.memref_slice %arg5[%select_n3A, %run_scoped3A_39, %run_scoped3A_40, %dma_start3A_104] : memref<16x5x1x32xf32, #tpu.memory_space<hbm>> -> memref<1x1x1x32xf32, #tpu.memory_space<hbm>>
      %dma_start3A_106 = tpu.memref_squeeze %dma_start3A_105 : memref<1x1x1x32xf32, #tpu.memory_space<hbm>> -> memref<32xf32, #tpu.memory_space<hbm>>
      tpu.enqueue_dma source(%dma_start3A_106 : memref<32xf32, #tpu.memory_space<hbm>>) target(%arg13 : memref<32xf32, #tpu.memory_space<vmem>>) target_semaphore(%run_scoped3A_101 : memref<!tpu.dma_semaphore, #tpu.memory_space<semaphore_mem>>)
      %dma_wait3A = arith.constant 0 : i32
      %dma_wait3A_107 = tpu.memref_slice %arg5[%select_n3A, %run_scoped3A_39, %run_scoped3A_40, %dma_wait3A] : memref<16x5x1x32xf32, #tpu.memory_space<hbm>> -> memref<1x1x1x32xf32, #tpu.memory_space<hbm>>
      %dma_wait3A_108 = tpu.memref_squeeze %dma_wait3A_107 : memref<1x1x1x32xf32, #tpu.memory_space<hbm>> -> memref<32xf32, #tpu.memory_space<hbm>>
      %dma_wait3A_109 = arith.constant 0 : i32
      %dma_wait3A_110 = tpu.memref_slice %arg5[%select_n3A, %run_scoped3A_39, %run_scoped3A_40, %dma_wait3A_109] : memref<16x5x1x32xf32, #tpu.memory_space<hbm>> -> memref<1x1x1x32xf32, #tpu.memory_space<hbm>>
      %dma_wait3A_111 = tpu.memref_squeeze %dma_wait3A_110 : memref<1x1x1x32xf32, #tpu.memory_space<hbm>> -> memref<32xf32, #tpu.memory_space<hbm>>
      tpu.wait_dma2 semaphore(%run_scoped3A_101 : memref<!tpu.dma_semaphore, #tpu.memory_space<semaphore_mem>>) src(%dma_wait3A_111 : memref<32xf32, #tpu.memory_space<hbm>>) dst(%arg13 : memref<32xf32, #tpu.memory_space<vmem>>)
      tpu.yield
    }) : () -> ()
    %run_scoped3A_41 = arith.constant 3 : i32
    %run_scoped3A_42 = arith.constant 0 : i32
    "tpu.region"() ({
      %run_scoped3A_101 = tpu.sem_alloc : memref<!tpu.dma_semaphore, #tpu.memory_space<semaphore_mem>>
      %dma_start3A = arith.constant 0 : i32
      %dma_start3A_102 = tpu.memref_slice %arg5[%select_n3A, %run_scoped3A_41, %run_scoped3A_42, %dma_start3A] : memref<16x5x1x32xf32, #tpu.memory_space<hbm>> -> memref<1x1x1x32xf32, #tpu.memory_space<hbm>>
      %dma_start3A_103 = tpu.memref_squeeze %dma_start3A_102 : memref<1x1x1x32xf32, #tpu.memory_space<hbm>> -> memref<32xf32, #tpu.memory_space<hbm>>
      %dma_start3A_104 = arith.constant 0 : i32
      %dma_start3A_105 = tpu.memref_slice %arg5[%select_n3A, %run_scoped3A_41, %run_scoped3A_42, %dma_start3A_104] : memref<16x5x1x32xf32, #tpu.memory_space<hbm>> -> memref<1x1x1x32xf32, #tpu.memory_space<hbm>>
      %dma_start3A_106 = tpu.memref_squeeze %dma_start3A_105 : memref<1x1x1x32xf32, #tpu.memory_space<hbm>> -> memref<32xf32, #tpu.memory_space<hbm>>
      tpu.enqueue_dma source(%dma_start3A_106 : memref<32xf32, #tpu.memory_space<hbm>>) target(%arg14 : memref<32xf32, #tpu.memory_space<vmem>>) target_semaphore(%run_scoped3A_101 : memref<!tpu.dma_semaphore, #tpu.memory_space<semaphore_mem>>)
      %dma_wait3A = arith.constant 0 : i32
      %dma_wait3A_107 = tpu.memref_slice %arg5[%select_n3A, %run_scoped3A_41, %run_scoped3A_42, %dma_wait3A] : memref<16x5x1x32xf32, #tpu.memory_space<hbm>> -> memref<1x1x1x32xf32, #tpu.memory_space<hbm>>
      %dma_wait3A_108 = tpu.memref_squeeze %dma_wait3A_107 : memref<1x1x1x32xf32, #tpu.memory_space<hbm>> -> memref<32xf32, #tpu.memory_space<hbm>>
      %dma_wait3A_109 = arith.constant 0 : i32
      %dma_wait3A_110 = tpu.memref_slice %arg5[%select_n3A, %run_scoped3A_41, %run_scoped3A_42, %dma_wait3A_109] : memref<16x5x1x32xf32, #tpu.memory_space<hbm>> -> memref<1x1x1x32xf32, #tpu.memory_space<hbm>>
      %dma_wait3A_111 = tpu.memref_squeeze %dma_wait3A_110 : memref<1x1x1x32xf32, #tpu.memory_space<hbm>> -> memref<32xf32, #tpu.memory_space<hbm>>
      tpu.wait_dma2 semaphore(%run_scoped3A_101 : memref<!tpu.dma_semaphore, #tpu.memory_space<semaphore_mem>>) src(%dma_wait3A_111 : memref<32xf32, #tpu.memory_space<hbm>>) dst(%arg14 : memref<32xf32, #tpu.memory_space<vmem>>)
      tpu.yield
    }) : () -> ()
    %run_scoped3A_43 = arith.constant 4 : i32
    %run_scoped3A_44 = arith.constant 0 : i32
    "tpu.region"() ({
      %run_scoped3A_101 = tpu.sem_alloc : memref<!tpu.dma_semaphore, #tpu.memory_space<semaphore_mem>>
      %dma_start3A = arith.constant 0 : i32
      %dma_start3A_102 = tpu.memref_slice %arg5[%select_n3A, %run_scoped3A_43, %run_scoped3A_44, %dma_start3A] : memref<16x5x1x32xf32, #tpu.memory_space<hbm>> -> memref<1x1x1x32xf32, #tpu.memory_space<hbm>>
      %dma_start3A_103 = tpu.memref_squeeze %dma_start3A_102 : memref<1x1x1x32xf32, #tpu.memory_space<hbm>> -> memref<32xf32, #tpu.memory_space<hbm>>
      %dma_start3A_104 = arith.constant 0 : i32
      %dma_start3A_105 = tpu.memref_slice %arg5[%select_n3A, %run_scoped3A_43, %run_scoped3A_44, %dma_start3A_104] : memref<16x5x1x32xf32, #tpu.memory_space<hbm>> -> memref<1x1x1x32xf32, #tpu.memory_space<hbm>>
      %dma_start3A_106 = tpu.memref_squeeze %dma_start3A_105 : memref<1x1x1x32xf32, #tpu.memory_space<hbm>> -> memref<32xf32, #tpu.memory_space<hbm>>
      tpu.enqueue_dma source(%dma_start3A_106 : memref<32xf32, #tpu.memory_space<hbm>>) target(%arg15 : memref<32xf32, #tpu.memory_space<vmem>>) target_semaphore(%run_scoped3A_101 : memref<!tpu.dma_semaphore, #tpu.memory_space<semaphore_mem>>)
      %dma_wait3A = arith.constant 0 : i32
      %dma_wait3A_107 = tpu.memref_slice %arg5[%select_n3A, %run_scoped3A_43, %run_scoped3A_44, %dma_wait3A] : memref<16x5x1x32xf32, #tpu.memory_space<hbm>> -> memref<1x1x1x32xf32, #tpu.memory_space<hbm>>
      %dma_wait3A_108 = tpu.memref_squeeze %dma_wait3A_107 : memref<1x1x1x32xf32, #tpu.memory_space<hbm>> -> memref<32xf32, #tpu.memory_space<hbm>>
      %dma_wait3A_109 = arith.constant 0 : i32
      %dma_wait3A_110 = tpu.memref_slice %arg5[%select_n3A, %run_scoped3A_43, %run_scoped3A_44, %dma_wait3A_109] : memref<16x5x1x32xf32, #tpu.memory_space<hbm>> -> memref<1x1x1x32xf32, #tpu.memory_space<hbm>>
      %dma_wait3A_111 = tpu.memref_squeeze %dma_wait3A_110 : memref<1x1x1x32xf32, #tpu.memory_space<hbm>> -> memref<32xf32, #tpu.memory_space<hbm>>
      tpu.wait_dma2 semaphore(%run_scoped3A_101 : memref<!tpu.dma_semaphore, #tpu.memory_space<semaphore_mem>>) src(%dma_wait3A_111 : memref<32xf32, #tpu.memory_space<hbm>>) dst(%arg15 : memref<32xf32, #tpu.memory_space<vmem>>)
      tpu.yield
    }) : () -> ()
    %get3A = arith.constant 0 : index
    %get3A_45 = tpu.vector_load %arg10[%get3A] {strides = array<i32>} : memref<32xi32, #tpu.memory_space<vmem>>, vector<16xi32>,
    %sub3A_46 = vector.broadcast %mul3A_32 : i32 to vector<16xi32>
    %sub3A_47 = arith.subi %get3A_45, %sub3A_46 : vector<16xi32>
    %ge3A = arith.constant 0 : i32
    %ge3A_48 = vector.broadcast %ge3A : i32 to vector<16xi32>
    %ge3A_49 = arith.cmpi sge, %sub3A_47, %ge3A_48 : vector<16xi32>
    %lt3A_50 = arith.constant 8192 : i32
    %lt3A_51 = vector.broadcast %lt3A_50 : i32 to vector<16xi32>
    %lt3A_52 = arith.cmpi slt, %sub3A_47, %lt3A_51 : vector<16xi32>
    %and3A_53 = arith.andi %ge3A_49, %lt3A_52 : vector<16xi1>
    %jit3A_54 = arith.constant 0 : i32
    %jit3A_55 = arith.constant 8191 : i32
    %max3A = vector.broadcast %jit3A_54 : i32 to vector<16xi32>
    %max3A_56 = arith.maxsi %max3A, %sub3A_47 : vector<16xi32>
    %min3A = vector.broadcast %jit3A_55 : i32 to vector<16xi32>
    %min3A_57 = arith.minsi %min3A, %max3A_56 : vector<16xi32>
    %iota3A = tpu.iota {dimensions = array<i32: 0>} : vector<16xi32>
    %add3A_58 = arith.constant 0 : i32
    %add3A_59 = vector.broadcast %add3A_58 : i32 to vector<16xi32>
    %add3A_60 = arith.addi %iota3A, %add3A_59 : vector<16xi32>
    tpu.vector_store_idx %arg8[%min3A_57], %add3A_60 masked %and3A_53 : memref<8192xi32, #tpu.memory_space<vmem>>[vector<16xi32>], vector<16xi32>, vector<16xi1>
    %broadcast_in_dim3A = arith.constant 2.000000e+00 : f32
    %broadcast_in_dim3A_61 = vector.broadcast %broadcast_in_dim3A : f32 to vector<16xf32>
    tpu.vector_store_idx %arg9[%min3A_57], %broadcast_in_dim3A_61 masked %and3A_53 : memref<8192xf32, #tpu.memory_space<vmem>>[vector<16xi32>], vector<16xf32>, vector<16xi1>
    %get3A_62 = arith.constant 16 : index
    %get3A_63 = tpu.vector_load %arg10[%get3A_62] {strides = array<i32>} : memref<32xi32, #tpu.memory_space<vmem>>, vector<16xi32>,
    %sub3A_64 = vector.broadcast %mul3A_32 : i32 to vector<16xi32>
    %sub3A_65 = arith.subi %get3A_63, %sub3A_64 : vector<16xi32>
    %ge3A_66 = arith.constant 0 : i32
    %ge3A_67 = vector.broadcast %ge3A_66 : i32 to vector<16xi32>
    %ge3A_68 = arith.cmpi sge, %sub3A_65, %ge3A_67 : vector<16xi32>
    %lt3A_69 = arith.constant 8192 : i32
    %lt3A_70 = vector.broadcast %lt3A_69 : i32 to vector<16xi32>
    %lt3A_71 = arith.cmpi slt, %sub3A_65, %lt3A_70 : vector<16xi32>
    %and3A_72 = arith.andi %ge3A_68, %lt3A_71 : vector<16xi1>
    %jit3A_73 = arith.constant 0 : i32
    %jit3A_74 = arith.constant 8191 : i32
    %max3A_75 = vector.broadcast %jit3A_73 : i32 to vector<16xi32>
    %max3A_76 = arith.maxsi %max3A_75, %sub3A_65 : vector<16xi32>
    %min3A_77 = vector.broadcast %jit3A_74 : i32 to vector<16xi32>
    %min3A_78 = arith.minsi %min3A_77, %max3A_76 : vector<16xi32>
    %iota3A_79 = tpu.iota {dimensions = array<i32: 0>} : vector<16xi32>
    %add3A_80 = arith.constant 16 : i32
    %add3A_81 = vector.broadcast %add3A_80 : i32 to vector<16xi32>
    %add3A_82 = arith.addi %iota3A_79, %add3A_81 : vector<16xi32>
    tpu.vector_store_idx %arg8[%min3A_78], %add3A_82 masked %and3A_72 : memref<8192xi32, #tpu.memory_space<vmem>>[vector<16xi32>], vector<16xi32>, vector<16xi1>
    %broadcast_in_dim3A_83 = arith.constant 2.000000e+00 : f32
    %broadcast_in_dim3A_84 = vector.broadcast %broadcast_in_dim3A_83 : f32 to vector<16xf32>
    tpu.vector_store_idx %arg9[%min3A_78], %broadcast_in_dim3A_84 masked %and3A_72 : memref<8192xf32, #tpu.memory_space<vmem>>[vector<16xi32>], vector<16xf32>, vector<16xi1>
    %run_scoped3A_85 = arith.constant 0 : i32
    "tpu.region"() ({
      %run_scoped3A_101 = tpu.sem_alloc : memref<!tpu.dma_semaphore, #tpu.memory_space<semaphore_mem>>
      %dma_start3A = tpu.memref_slice %arg6[%select_n3A, %run_scoped3A_85, %mul3A_32] : memref<16x1x16384xf32, #tpu.memory_space<hbm>> -> memref<1x1x8192xf32, #tpu.memory_space<hbm>>
      %dma_start3A_102 = tpu.memref_squeeze %dma_start3A : memref<1x1x8192xf32, #tpu.memory_space<hbm>> -> memref<8192xf32, #tpu.memory_space<hbm>>
      %dma_start3A_103 = tpu.memref_slice %arg6[%select_n3A, %run_scoped3A_85, %mul3A_32] : memref<16x1x16384xf32, #tpu.memory_space<hbm>> -> memref<1x1x8192xf32, #tpu.memory_space<hbm>>
      %dma_start3A_104 = tpu.memref_squeeze %dma_start3A_103 : memref<1x1x8192xf32, #tpu.memory_space<hbm>> -> memref<8192xf32, #tpu.memory_space<hbm>>
      tpu.enqueue_dma source(%arg9 : memref<8192xf32, #tpu.memory_space<vmem>>) target(%dma_start3A_104 : memref<8192xf32, #tpu.memory_space<hbm>>) target_semaphore(%run_scoped3A_101 : memref<!tpu.dma_semaphore, #tpu.memory_space<semaphore_mem>>)
      %dma_wait3A = tpu.memref_slice %arg6[%select_n3A, %run_scoped3A_85, %mul3A_32] : memref<16x1x16384xf32, #tpu.memory_space<hbm>> -> memref<1x1x8192xf32, #tpu.memory_space<hbm>>
      %dma_wait3A_105 = tpu.memref_squeeze %dma_wait3A : memref<1x1x8192xf32, #tpu.memory_space<hbm>> -> memref<8192xf32, #tpu.memory_space<hbm>>
      %dma_wait3A_106 = tpu.memref_slice %arg6[%select_n3A, %run_scoped3A_85, %mul3A_32] : memref<16x1x16384xf32, #tpu.memory_space<hbm>> -> memref<1x1x8192xf32, #tpu.memory_space<hbm>>
      %dma_wait3A_107 = tpu.memref_squeeze %dma_wait3A_106 : memref<1x1x8192xf32, #tpu.memory_space<hbm>> -> memref<8192xf32, #tpu.memory_space<hbm>>
      tpu.wait_dma2 semaphore(%run_scoped3A_101 : memref<!tpu.dma_semaphore, #tpu.memory_space<semaphore_mem>>) src(%arg9 : memref<8192xf32, #tpu.memory_space<vmem>>) dst(%dma_wait3A_107 : memref<8192xf32, #tpu.memory_space<hbm>>)
      tpu.yield
    }) : () -> ()
    %scan3A = arith.constant 0 : i32
    %scan3A_86 = arith.constant 0 : i32
    %scan3A_87 = arith.constant 512 : i32
    %scan3A_88 = arith.addi %scan3A_86, %scan3A_87 : i32
    %scan3A_89 = arith.constant 1 : i32
    scf.for %scan3A_101 = %scan3A_86 to %scan3A_88 step %scan3A_89  : i32 {
      %mul3A_102 = arith.constant 16 : i32
      %mul3A_103 = arith.muli %scan3A_101, %mul3A_102 : i32
      %multiple_of3A = tpu.assume_multiple %mul3A_103, 16 : i32
      %get3A_104 = arith.index_cast %multiple_of3A : i32 to index
      %get3A_105 = tpu.vector_load %arg8[%get3A_104] {strides = array<i32>} : memref<8192xi32, #tpu.memory_space<vmem>>, vector<16xi32>,
      %gather3A = tpu.vector_load_idx %arg11[%get3A_105] : memref<32xf32, #tpu.memory_space<vmem>>[vector<16xi32>], vector<16xf32>,
      %swap3A = arith.index_cast %multiple_of3A : i32 to index
      %swap3A_106 = tpu.vector_load %arg16[%swap3A] {strides = array<i32>} : memref<8192xf32, #tpu.memory_space<vmem>>, vector<16xf32>,
      tpu.vector_store %arg16[%swap3A], %gather3A {strides = array<i32>} : memref<8192xf32, #tpu.memory_space<vmem>>, vector<16xf32>,
      %gather3A_107 = tpu.vector_load_idx %arg12[%get3A_105] : memref<32xf32, #tpu.memory_space<vmem>>[vector<16xi32>], vector<16xf32>,
      %swap3A_108 = arith.index_cast %multiple_of3A : i32 to index
      %swap3A_109 = tpu.vector_load %arg17[%swap3A_108] {strides = array<i32>} : memref<8192xf32, #tpu.memory_space<vmem>>, vector<16xf32>,
      tpu.vector_store %arg17[%swap3A_108], %gather3A_107 {strides = array<i32>} : memref<8192xf32, #tpu.memory_space<vmem>>, vector<16xf32>,
      %gather3A_110 = tpu.vector_load_idx %arg13[%get3A_105] : memref<32xf32, #tpu.memory_space<vmem>>[vector<16xi32>], vector<16xf32>,
      %swap3A_111 = arith.index_cast %multiple_of3A : i32 to index
      %swap3A_112 = tpu.vector_load %arg18[%swap3A_111] {strides = array<i32>} : memref<8192xf32, #tpu.memory_space<vmem>>, vector<16xf32>,
      tpu.vector_store %arg18[%swap3A_111], %gather3A_110 {strides = array<i32>} : memref<8192xf32, #tpu.memory_space<vmem>>, vector<16xf32>,
      %gather3A_113 = tpu.vector_load_idx %arg14[%get3A_105] : memref<32xf32, #tpu.memory_space<vmem>>[vector<16xi32>], vector<16xf32>,
      %swap3A_114 = arith.index_cast %multiple_of3A : i32 to index
      %swap3A_115 = tpu.vector_load %arg19[%swap3A_114] {strides = array<i32>} : memref<8192xf32, #tpu.memory_space<vmem>>, vector<16xf32>,
      tpu.vector_store %arg19[%swap3A_114], %gather3A_113 {strides = array<i32>} : memref<8192xf32, #tpu.memory_space<vmem>>, vector<16xf32>,
      %gather3A_116 = tpu.vector_load_idx %arg15[%get3A_105] : memref<32xf32, #tpu.memory_space<vmem>>[vector<16xi32>], vector<16xf32>,
      %swap3A_117 = arith.index_cast %multiple_of3A : i32 to index
      %swap3A_118 = tpu.vector_load %arg20[%swap3A_117] {strides = array<i32>} : memref<8192xf32, #tpu.memory_space<vmem>>, vector<16xf32>,
      tpu.vector_store %arg20[%swap3A_117], %gather3A_116 {strides = array<i32>} : memref<8192xf32, #tpu.memory_space<vmem>>, vector<16xf32>,
    }
    %scan3A_90 = arith.constant 512 : i32
    %run_scoped3A_91 = arith.constant 0 : i32
    %run_scoped3A_92 = arith.constant 0 : i32
    "tpu.region"() ({
      %run_scoped3A_101 = tpu.sem_alloc : memref<!tpu.dma_semaphore, #tpu.memory_space<semaphore_mem>>
      %dma_start3A = tpu.memref_slice %arg7[%select_n3A, %run_scoped3A_91, %run_scoped3A_92, %mul3A_32] : memref<16x5x1x16384xf32, #tpu.memory_space<hbm>> -> memref<1x1x1x8192xf32, #tpu.memory_space<hbm>>
      %dma_start3A_102 = tpu.memref_squeeze %dma_start3A : memref<1x1x1x8192xf32, #tpu.memory_space<hbm>> -> memref<8192xf32, #tpu.memory_space<hbm>>
      %dma_start3A_103 = tpu.memref_slice %arg7[%select_n3A, %run_scoped3A_91, %run_scoped3A_92, %mul3A_32] : memref<16x5x1x16384xf32, #tpu.memory_space<hbm>> -> memref<1x1x1x8192xf32, #tpu.memory_space<hbm>>
      %dma_start3A_104 = tpu.memref_squeeze %dma_start3A_103 : memref<1x1x1x8192xf32, #tpu.memory_space<hbm>> -> memref<8192xf32, #tpu.memory_space<hbm>>
      tpu.enqueue_dma source(%arg16 : memref<8192xf32, #tpu.memory_space<vmem>>) target(%dma_start3A_104 : memref<8192xf32, #tpu.memory_space<hbm>>) target_semaphore(%run_scoped3A_101 : memref<!tpu.dma_semaphore, #tpu.memory_space<semaphore_mem>>)
      %dma_wait3A = tpu.memref_slice %arg7[%select_n3A, %run_scoped3A_91, %run_scoped3A_92, %mul3A_32] : memref<16x5x1x16384xf32, #tpu.memory_space<hbm>> -> memref<1x1x1x8192xf32, #tpu.memory_space<hbm>>
      %dma_wait3A_105 = tpu.memref_squeeze %dma_wait3A : memref<1x1x1x8192xf32, #tpu.memory_space<hbm>> -> memref<8192xf32, #tpu.memory_space<hbm>>
      %dma_wait3A_106 = tpu.memref_slice %arg7[%select_n3A, %run_scoped3A_91, %run_scoped3A_92, %mul3A_32] : memref<16x5x1x16384xf32, #tpu.memory_space<hbm>> -> memref<1x1x1x8192xf32, #tpu.memory_space<hbm>>
      %dma_wait3A_107 = tpu.memref_squeeze %dma_wait3A_106 : memref<1x1x1x8192xf32, #tpu.memory_space<hbm>> -> memref<8192xf32, #tpu.memory_space<hbm>>
      tpu.wait_dma2 semaphore(%run_scoped3A_101 : memref<!tpu.dma_semaphore, #tpu.memory_space<semaphore_mem>>) src(%arg16 : memref<8192xf32, #tpu.memory_space<vmem>>) dst(%dma_wait3A_107 : memref<8192xf32, #tpu.memory_space<hbm>>)
      tpu.yield
    }) : () -> ()
    %run_scoped3A_93 = arith.constant 1 : i32
    %run_scoped3A_94 = arith.constant 0 : i32
    "tpu.region"() ({
      %run_scoped3A_101 = tpu.sem_alloc : memref<!tpu.dma_semaphore, #tpu.memory_space<semaphore_mem>>
      %dma_start3A = tpu.memref_slice %arg7[%select_n3A, %run_scoped3A_93, %run_scoped3A_94, %mul3A_32] : memref<16x5x1x16384xf32, #tpu.memory_space<hbm>> -> memref<1x1x1x8192xf32, #tpu.memory_space<hbm>>
      %dma_start3A_102 = tpu.memref_squeeze %dma_start3A : memref<1x1x1x8192xf32, #tpu.memory_space<hbm>> -> memref<8192xf32, #tpu.memory_space<hbm>>
      %dma_start3A_103 = tpu.memref_slice %arg7[%select_n3A, %run_scoped3A_93, %run_scoped3A_94, %mul3A_32] : memref<16x5x1x16384xf32, #tpu.memory_space<hbm>> -> memref<1x1x1x8192xf32, #tpu.memory_space<hbm>>
      %dma_start3A_104 = tpu.memref_squeeze %dma_start3A_103 : memref<1x1x1x8192xf32, #tpu.memory_space<hbm>> -> memref<8192xf32, #tpu.memory_space<hbm>>
      tpu.enqueue_dma source(%arg17 : memref<8192xf32, #tpu.memory_space<vmem>>) target(%dma_start3A_104 : memref<8192xf32, #tpu.memory_space<hbm>>) target_semaphore(%run_scoped3A_101 : memref<!tpu.dma_semaphore, #tpu.memory_space<semaphore_mem>>)
      %dma_wait3A = tpu.memref_slice %arg7[%select_n3A, %run_scoped3A_93, %run_scoped3A_94, %mul3A_32] : memref<16x5x1x16384xf32, #tpu.memory_space<hbm>> -> memref<1x1x1x8192xf32, #tpu.memory_space<hbm>>
      %dma_wait3A_105 = tpu.memref_squeeze %dma_wait3A : memref<1x1x1x8192xf32, #tpu.memory_space<hbm>> -> memref<8192xf32, #tpu.memory_space<hbm>>
      %dma_wait3A_106 = tpu.memref_slice %arg7[%select_n3A, %run_scoped3A_93, %run_scoped3A_94, %mul3A_32] : memref<16x5x1x16384xf32, #tpu.memory_space<hbm>> -> memref<1x1x1x8192xf32, #tpu.memory_space<hbm>>
      %dma_wait3A_107 = tpu.memref_squeeze %dma_wait3A_106 : memref<1x1x1x8192xf32, #tpu.memory_space<hbm>> -> memref<8192xf32, #tpu.memory_space<hbm>>
      tpu.wait_dma2 semaphore(%run_scoped3A_101 : memref<!tpu.dma_semaphore, #tpu.memory_space<semaphore_mem>>) src(%arg17 : memref<8192xf32, #tpu.memory_space<vmem>>) dst(%dma_wait3A_107 : memref<8192xf32, #tpu.memory_space<hbm>>)
      tpu.yield
    }) : () -> ()
    %run_scoped3A_95 = arith.constant 2 : i32
    %run_scoped3A_96 = arith.constant 0 : i32
    "tpu.region"() ({
      %run_scoped3A_101 = tpu.sem_alloc : memref<!tpu.dma_semaphore, #tpu.memory_space<semaphore_mem>>
      %dma_start3A = tpu.memref_slice %arg7[%select_n3A, %run_scoped3A_95, %run_scoped3A_96, %mul3A_32] : memref<16x5x1x16384xf32, #tpu.memory_space<hbm>> -> memref<1x1x1x8192xf32, #tpu.memory_space<hbm>>
      %dma_start3A_102 = tpu.memref_squeeze %dma_start3A : memref<1x1x1x8192xf32, #tpu.memory_space<hbm>> -> memref<8192xf32, #tpu.memory_space<hbm>>
      %dma_start3A_103 = tpu.memref_slice %arg7[%select_n3A, %run_scoped3A_95, %run_scoped3A_96, %mul3A_32] : memref<16x5x1x16384xf32, #tpu.memory_space<hbm>> -> memref<1x1x1x8192xf32, #tpu.memory_space<hbm>>
      %dma_start3A_104 = tpu.memref_squeeze %dma_start3A_103 : memref<1x1x1x8192xf32, #tpu.memory_space<hbm>> -> memref<8192xf32, #tpu.memory_space<hbm>>
      tpu.enqueue_dma source(%arg18 : memref<8192xf32, #tpu.memory_space<vmem>>) target(%dma_start3A_104 : memref<8192xf32, #tpu.memory_space<hbm>>) target_semaphore(%run_scoped3A_101 : memref<!tpu.dma_semaphore, #tpu.memory_space<semaphore_mem>>)
      %dma_wait3A = tpu.memref_slice %arg7[%select_n3A, %run_scoped3A_95, %run_scoped3A_96, %mul3A_32] : memref<16x5x1x16384xf32, #tpu.memory_space<hbm>> -> memref<1x1x1x8192xf32, #tpu.memory_space<hbm>>
      %dma_wait3A_105 = tpu.memref_squeeze %dma_wait3A : memref<1x1x1x8192xf32, #tpu.memory_space<hbm>> -> memref<8192xf32, #tpu.memory_space<hbm>>
      %dma_wait3A_106 = tpu.memref_slice %arg7[%select_n3A, %run_scoped3A_95, %run_scoped3A_96, %mul3A_32] : memref<16x5x1x16384xf32, #tpu.memory_space<hbm>> -> memref<1x1x1x8192xf32, #tpu.memory_space<hbm>>
      %dma_wait3A_107 = tpu.memref_squeeze %dma_wait3A_106 : memref<1x1x1x8192xf32, #tpu.memory_space<hbm>> -> memref<8192xf32, #tpu.memory_space<hbm>>
      tpu.wait_dma2 semaphore(%run_scoped3A_101 : memref<!tpu.dma_semaphore, #tpu.memory_space<semaphore_mem>>) src(%arg18 : memref<8192xf32, #tpu.memory_space<vmem>>) dst(%dma_wait3A_107 : memref<8192xf32, #tpu.memory_space<hbm>>)
      tpu.yield
    }) : () -> ()
    %run_scoped3A_97 = arith.constant 3 : i32
    %run_scoped3A_98 = arith.constant 0 : i32
    "tpu.region"() ({
      %run_scoped3A_101 = tpu.sem_alloc : memref<!tpu.dma_semaphore, #tpu.memory_space<semaphore_mem>>
      %dma_start3A = tpu.memref_slice %arg7[%select_n3A, %run_scoped3A_97, %run_scoped3A_98, %mul3A_32] : memref<16x5x1x16384xf32, #tpu.memory_space<hbm>> -> memref<1x1x1x8192xf32, #tpu.memory_space<hbm>>
      %dma_start3A_102 = tpu.memref_squeeze %dma_start3A : memref<1x1x1x8192xf32, #tpu.memory_space<hbm>> -> memref<8192xf32, #tpu.memory_space<hbm>>
      %dma_start3A_103 = tpu.memref_slice %arg7[%select_n3A, %run_scoped3A_97, %run_scoped3A_98, %mul3A_32] : memref<16x5x1x16384xf32, #tpu.memory_space<hbm>> -> memref<1x1x1x8192xf32, #tpu.memory_space<hbm>>
      %dma_start3A_104 = tpu.memref_squeeze %dma_start3A_103 : memref<1x1x1x8192xf32, #tpu.memory_space<hbm>> -> memref<8192xf32, #tpu.memory_space<hbm>>
      tpu.enqueue_dma source(%arg19 : memref<8192xf32, #tpu.memory_space<vmem>>) target(%dma_start3A_104 : memref<8192xf32, #tpu.memory_space<hbm>>) target_semaphore(%run_scoped3A_101 : memref<!tpu.dma_semaphore, #tpu.memory_space<semaphore_mem>>)
      %dma_wait3A = tpu.memref_slice %arg7[%select_n3A, %run_scoped3A_97, %run_scoped3A_98, %mul3A_32] : memref<16x5x1x16384xf32, #tpu.memory_space<hbm>> -> memref<1x1x1x8192xf32, #tpu.memory_space<hbm>>
      %dma_wait3A_105 = tpu.memref_squeeze %dma_wait3A : memref<1x1x1x8192xf32, #tpu.memory_space<hbm>> -> memref<8192xf32, #tpu.memory_space<hbm>>
      %dma_wait3A_106 = tpu.memref_slice %arg7[%select_n3A, %run_scoped3A_97, %run_scoped3A_98, %mul3A_32] : memref<16x5x1x16384xf32, #tpu.memory_space<hbm>> -> memref<1x1x1x8192xf32, #tpu.memory_space<hbm>>
      %dma_wait3A_107 = tpu.memref_squeeze %dma_wait3A_106 : memref<1x1x1x8192xf32, #tpu.memory_space<hbm>> -> memref<8192xf32, #tpu.memory_space<hbm>>
      tpu.wait_dma2 semaphore(%run_scoped3A_101 : memref<!tpu.dma_semaphore, #tpu.memory_space<semaphore_mem>>) src(%arg19 : memref<8192xf32, #tpu.memory_space<vmem>>) dst(%dma_wait3A_107 : memref<8192xf32, #tpu.memory_space<hbm>>)
      tpu.yield
    }) : () -> ()
    %run_scoped3A_99 = arith.constant 4 : i32
    %run_scoped3A_100 = arith.constant 0 : i32
    "tpu.region"() ({
      %run_scoped3A_101 = tpu.sem_alloc : memref<!tpu.dma_semaphore, #tpu.memory_space<semaphore_mem>>
      %dma_start3A = tpu.memref_slice %arg7[%select_n3A, %run_scoped3A_99, %run_scoped3A_100, %mul3A_32] : memref<16x5x1x16384xf32, #tpu.memory_space<hbm>> -> memref<1x1x1x8192xf32, #tpu.memory_space<hbm>>
      %dma_start3A_102 = tpu.memref_squeeze %dma_start3A : memref<1x1x1x8192xf32, #tpu.memory_space<hbm>> -> memref<8192xf32, #tpu.memory_space<hbm>>
      %dma_start3A_103 = tpu.memref_slice %arg7[%select_n3A, %run_scoped3A_99, %run_scoped3A_100, %mul3A_32] : memref<16x5x1x16384xf32, #tpu.memory_space<hbm>> -> memref<1x1x1x8192xf32, #tpu.memory_space<hbm>>
      %dma_start3A_104 = tpu.memref_squeeze %dma_start3A_103 : memref<1x1x1x8192xf32, #tpu.memory_space<hbm>> -> memref<8192xf32, #tpu.memory_space<hbm>>
      tpu.enqueue_dma source(%arg20 : memref<8192xf32, #tpu.memory_space<vmem>>) target(%dma_start3A_104 : memref<8192xf32, #tpu.memory_space<hbm>>) target_semaphore(%run_scoped3A_101 : memref<!tpu.dma_semaphore, #tpu.memory_space<semaphore_mem>>)
      %dma_wait3A = tpu.memref_slice %arg7[%select_n3A, %run_scoped3A_99, %run_scoped3A_100, %mul3A_32] : memref<16x5x1x16384xf32, #tpu.memory_space<hbm>> -> memref<1x1x1x8192xf32, #tpu.memory_space<hbm>>
      %dma_wait3A_105 = tpu.memref_squeeze %dma_wait3A : memref<1x1x1x8192xf32, #tpu.memory_space<hbm>> -> memref<8192xf32, #tpu.memory_space<hbm>>
      %dma_wait3A_106 = tpu.memref_slice %arg7[%select_n3A, %run_scoped3A_99, %run_scoped3A_100, %mul3A_32] : memref<16x5x1x16384xf32, #tpu.memory_space<hbm>> -> memref<1x1x1x8192xf32, #tpu.memory_space<hbm>>
      %dma_wait3A_107 = tpu.memref_squeeze %dma_wait3A_106 : memref<1x1x1x8192xf32, #tpu.memory_space<hbm>> -> memref<8192xf32, #tpu.memory_space<hbm>>
      tpu.wait_dma2 semaphore(%run_scoped3A_101 : memref<!tpu.dma_semaphore, #tpu.memory_space<semaphore_mem>>) src(%arg20 : memref<8192xf32, #tpu.memory_space<vmem>>) dst(%dma_wait3A_107 : memref<8192xf32, #tpu.memory_space<hbm>>)
      tpu.yield
    }) : () -> ()
    return
  }
}

module attributes {stable_mosaic.version = 14 : i64} {
  func.func @_match_kernel(%arg0: i32, %arg1: i32, %arg2: memref<4x16384xf32, #tpu.memory_space<vmem>>, %arg3: memref<1x32x5xf32, #tpu.memory_space<vmem>>, %arg4: memref<1x1x16384xf32, #tpu.memory_space<vmem>>, %arg5: memref<1x1x16384xi32, #tpu.memory_space<vmem>>, %arg6: memref<1x32x1xi32, #tpu.memory_space<vmem>>) attributes {dimension_semantics = [#tpu.dimension_semantics<arbitrary>, #tpu.dimension_semantics<arbitrary>], iteration_bounds = array<i64: 16, 1>, scalar_prefetch = 0 : i64, scratch_operands = 0 : i64, tpu.core_type = #tpu.core_type<tc>, window_params = [{transform_indices = @transform_0, window_bounds = array<i64: 4, 16384>}, {transform_indices = @transform_1, window_bounds = array<i64: 1, 32, 5>}, {transform_indices = @transform_2, window_bounds = array<i64: 1, 1, 16384>}, {transform_indices = @transform_3, window_bounds = array<i64: 1, 1, 16384>}, {transform_indices = @transform_4, window_bounds = array<i64: 1, 32, 1>}]} {
    %get3A = arith.constant 0 : index
    %get3A_0 = arith.constant 0 : index
    %get3A_1 = arith.constant 0 : index
    %get3A_2 = vector.load %arg3[%get3A, %get3A_0, %get3A_1] : memref<1x32x5xf32, #tpu.memory_space<vmem>>, vector<1x32x5xf32>
    %get3A_3 = vector.shape_cast %get3A_2 : vector<1x32x5xf32> to vector<32x5xf32>
    %slice3A = vector.extract_strided_slice %get3A_3 {offsets = [0, 0], sizes = [32, 1], strides = [1, 1]} : vector<32x5xf32> to vector<32x1xf32>
    %slice3A_4 = vector.extract_strided_slice %get3A_3 {offsets = [0, 1], sizes = [32, 1], strides = [1, 1]} : vector<32x5xf32> to vector<32x1xf32>
    %slice3A_5 = vector.extract_strided_slice %get3A_3 {offsets = [0, 2], sizes = [32, 1], strides = [1, 1]} : vector<32x5xf32> to vector<32x1xf32>
    %slice3A_6 = vector.extract_strided_slice %get3A_3 {offsets = [0, 3], sizes = [32, 1], strides = [1, 1]} : vector<32x5xf32> to vector<32x1xf32>
    %get3A_7 = arith.constant 0 : index
    %get3A_8 = arith.constant 0 : index
    %get3A_9 = vector.load %arg2[%get3A_7, %get3A_8] : memref<4x16384xf32, #tpu.memory_space<vmem>>, vector<4x16384xf32>
    %slice3A_10 = vector.extract_strided_slice %get3A_9 {offsets = [0, 0], sizes = [1, 16384], strides = [1, 1]} : vector<4x16384xf32> to vector<1x16384xf32>
    %slice3A_11 = vector.extract_strided_slice %get3A_9 {offsets = [1, 0], sizes = [1, 16384], strides = [1, 1]} : vector<4x16384xf32> to vector<1x16384xf32>
    %slice3A_12 = vector.extract_strided_slice %get3A_9 {offsets = [2, 0], sizes = [1, 16384], strides = [1, 1]} : vector<4x16384xf32> to vector<1x16384xf32>
    %slice3A_13 = vector.extract_strided_slice %get3A_9 {offsets = [3, 0], sizes = [1, 16384], strides = [1, 1]} : vector<4x16384xf32> to vector<1x16384xf32>
    %div3A = arith.constant 2.000000e+00 : f32
    %div3A_14 = vector.broadcast %div3A : f32 to vector<1x16384xf32>
    %div3A_15 = arith.divf %slice3A_12, %div3A_14 : vector<1x16384xf32>
    %sub3A = arith.subf %slice3A_10, %div3A_15 : vector<1x16384xf32>
    %div3A_16 = arith.constant 2.000000e+00 : f32
    %div3A_17 = vector.broadcast %div3A_16 : f32 to vector<1x16384xf32>
    %div3A_18 = arith.divf %slice3A_13, %div3A_17 : vector<1x16384xf32>
    %sub3A_19 = arith.subf %slice3A_11, %div3A_18 : vector<1x16384xf32>
    %div3A_20 = arith.constant 2.000000e+00 : f32
    %div3A_21 = vector.broadcast %div3A_20 : f32 to vector<1x16384xf32>
    %div3A_22 = arith.divf %slice3A_12, %div3A_21 : vector<1x16384xf32>
    %add3A = arith.addf %slice3A_10, %div3A_22 : vector<1x16384xf32>
    %div3A_23 = arith.constant 2.000000e+00 : f32
    %div3A_24 = vector.broadcast %div3A_23 : f32 to vector<1x16384xf32>
    %div3A_25 = arith.divf %slice3A_13, %div3A_24 : vector<1x16384xf32>
    %add3A_26 = arith.addf %slice3A_11, %div3A_25 : vector<1x16384xf32>
    %min3A = vector.broadcast %slice3A_5 : vector<32x1xf32> to vector<32x16384xf32>
    %min3A_27 = vector.broadcast %add3A : vector<1x16384xf32> to vector<32x16384xf32>
    %min3A_28 = arith.minimumf %min3A, %min3A_27 : vector<32x16384xf32>
    %max3A = vector.broadcast %slice3A : vector<32x1xf32> to vector<32x16384xf32>
    %max3A_29 = vector.broadcast %sub3A : vector<1x16384xf32> to vector<32x16384xf32>
    %max3A_30 = arith.maximumf %max3A, %max3A_29 : vector<32x16384xf32>
    %sub3A_31 = arith.subf %min3A_28, %max3A_30 : vector<32x16384xf32>
    %max3A_32 = arith.constant 0.000000e+00 : f32
    %max3A_33 = vector.broadcast %max3A_32 : f32 to vector<32x16384xf32>
    %max3A_34 = arith.maximumf %sub3A_31, %max3A_33 : vector<32x16384xf32>
    %min3A_35 = vector.broadcast %slice3A_6 : vector<32x1xf32> to vector<32x16384xf32>
    %min3A_36 = vector.broadcast %add3A_26 : vector<1x16384xf32> to vector<32x16384xf32>
    %min3A_37 = arith.minimumf %min3A_35, %min3A_36 : vector<32x16384xf32>
    %max3A_38 = vector.broadcast %slice3A_4 : vector<32x1xf32> to vector<32x16384xf32>
    %max3A_39 = vector.broadcast %sub3A_19 : vector<1x16384xf32> to vector<32x16384xf32>
    %max3A_40 = arith.maximumf %max3A_38, %max3A_39 : vector<32x16384xf32>
    %sub3A_41 = arith.subf %min3A_37, %max3A_40 : vector<32x16384xf32>
    %max3A_42 = arith.constant 0.000000e+00 : f32
    %max3A_43 = vector.broadcast %max3A_42 : f32 to vector<32x16384xf32>
    %max3A_44 = arith.maximumf %sub3A_41, %max3A_43 : vector<32x16384xf32>
    %mul3A = arith.mulf %max3A_34, %max3A_44 : vector<32x16384xf32>
    %sub3A_45 = arith.subf %slice3A_5, %slice3A : vector<32x1xf32>
    %sub3A_46 = arith.subf %slice3A_6, %slice3A_4 : vector<32x1xf32>
    %mul3A_47 = arith.mulf %sub3A_45, %sub3A_46 : vector<32x1xf32>
    %sub3A_48 = arith.subf %add3A, %sub3A : vector<1x16384xf32>
    %sub3A_49 = arith.subf %add3A_26, %sub3A_19 : vector<1x16384xf32>
    %mul3A_50 = arith.mulf %sub3A_48, %sub3A_49 : vector<1x16384xf32>
    %add3A_51 = vector.broadcast %mul3A_47 : vector<32x1xf32> to vector<32x16384xf32>
    %add3A_52 = vector.broadcast %mul3A_50 : vector<1x16384xf32> to vector<32x16384xf32>
    %add3A_53 = arith.addf %add3A_51, %add3A_52 : vector<32x16384xf32>
    %sub3A_54 = arith.subf %add3A_53, %mul3A : vector<32x16384xf32>
    %div3A_55 = arith.divf %mul3A, %sub3A_54 : vector<32x16384xf32>
    %reduce_max3A = arith.constant dense<0xFF800000> : vector<16384xf32>
    %reduce_max3A_56 = vector.multi_reduction <maximumf>, %div3A_55, %reduce_max3A [0] : vector<32x16384xf32> to vector<16384xf32>
    %broadcast_in_dim3A = vector.shape_cast %reduce_max3A_56 : vector<16384xf32> to vector<1x16384xf32>
    %iota3A = tpu.iota {dimensions = array<i32: 0>} : vector<32x16384xi32>
    %eq3A = vector.broadcast %broadcast_in_dim3A : vector<1x16384xf32> to vector<32x16384xf32>
    %eq3A_57 = arith.cmpf oeq, %div3A_55, %eq3A : vector<32x16384xf32>
    %jit3A = arith.constant 32 : i32
    %broadcast_in_dim3A_58 = vector.broadcast %jit3A : i32 to vector<32x16384xi32>
    %select_n3A = arith.select %eq3A_57, %iota3A, %broadcast_in_dim3A_58 : vector<32x16384xi1>, vector<32x16384xi32>
    %reduce_min3A = arith.constant dense<2147483647> : vector<16384xi32>
    %reduce_min3A_59 = vector.multi_reduction <minsi>, %select_n3A, %reduce_min3A [0] : vector<32x16384xi32> to vector<16384xi32>
    %broadcast_in_dim3A_60 = vector.shape_cast %reduce_min3A_59 : vector<16384xi32> to vector<1x16384xi32>
    %swap3A = arith.constant 0 : index
    %swap3A_61 = arith.constant 0 : index
    %swap3A_62 = arith.constant 0 : index
    %swap3A_63 = vector.load %arg4[%swap3A, %swap3A_61, %swap3A_62] : memref<1x1x16384xf32, #tpu.memory_space<vmem>>, vector<1x1x16384xf32>
    %swap3A_64 = vector.shape_cast %swap3A_63 : vector<1x1x16384xf32> to vector<1x16384xf32>
    %swap3A_65 = vector.shape_cast %broadcast_in_dim3A : vector<1x16384xf32> to vector<1x1x16384xf32>
    tpu.vector_store %arg4[%swap3A, %swap3A_61, %swap3A_62], %swap3A_65 {strides = array<i32>} : memref<1x1x16384xf32, #tpu.memory_space<vmem>>, vector<1x1x16384xf32>,
    %swap3A_66 = arith.constant 0 : index
    %swap3A_67 = arith.constant 0 : index
    %swap3A_68 = arith.constant 0 : index
    %swap3A_69 = vector.load %arg5[%swap3A_66, %swap3A_67, %swap3A_68] : memref<1x1x16384xi32, #tpu.memory_space<vmem>>, vector<1x1x16384xi32>
    %swap3A_70 = vector.shape_cast %swap3A_69 : vector<1x1x16384xi32> to vector<1x16384xi32>
    %swap3A_71 = vector.shape_cast %broadcast_in_dim3A_60 : vector<1x16384xi32> to vector<1x1x16384xi32>
    tpu.vector_store %arg5[%swap3A_66, %swap3A_67, %swap3A_68], %swap3A_71 {strides = array<i32>} : memref<1x1x16384xi32, #tpu.memory_space<vmem>>, vector<1x1x16384xi32>,
    %reduce_max3A_72 = arith.constant dense<0xFF800000> : vector<32xf32>
    %reduce_max3A_73 = vector.multi_reduction <maximumf>, %div3A_55, %reduce_max3A_72 [1] : vector<32x16384xf32> to vector<32xf32>
    %broadcast_in_dim3A_74 = vector.shape_cast %reduce_max3A_73 : vector<32xf32> to vector<32x1xf32>
    %iota3A_75 = tpu.iota {dimensions = array<i32: 1>} : vector<32x16384xi32>
    %eq3A_76 = vector.broadcast %broadcast_in_dim3A_74 : vector<32x1xf32> to vector<32x16384xf32>
    %eq3A_77 = arith.cmpf oeq, %div3A_55, %eq3A_76 : vector<32x16384xf32>
    %jit3A_78 = arith.constant 16384 : i32
    %broadcast_in_dim3A_79 = vector.broadcast %jit3A_78 : i32 to vector<32x16384xi32>
    %select_n3A_80 = arith.select %eq3A_77, %iota3A_75, %broadcast_in_dim3A_79 : vector<32x16384xi1>, vector<32x16384xi32>
    %reduce_min3A_81 = arith.constant dense<2147483647> : vector<32xi32>
    %reduce_min3A_82 = vector.multi_reduction <minsi>, %select_n3A_80, %reduce_min3A_81 [1] : vector<32x16384xi32> to vector<32xi32>
    %broadcast_in_dim3A_83 = vector.shape_cast %reduce_min3A_82 : vector<32xi32> to vector<32x1xi32>
    %convert_element_type3A = arith.sitofp %broadcast_in_dim3A_83 : vector<32x1xi32> to vector<32x1xf32>
    %transpose3A = tpu.transpose %convert_element_type3A, [1, 0] : vector<32x1xf32> -> vector<1x32xf32>
    %iota3A_84 = tpu.iota {dimensions = array<i32: 0>} : vector<32x32xi32>
    %iota3A_85 = tpu.iota {dimensions = array<i32: 1>} : vector<32x32xi32>
    %eq3A_86 = vector.broadcast %transpose3A : vector<1x32xf32> to vector<32x32xf32>
    %eq3A_87 = vector.broadcast %convert_element_type3A : vector<32x1xf32> to vector<32x32xf32>
    %eq3A_88 = arith.cmpf oeq, %eq3A_86, %eq3A_87 : vector<32x32xf32>
    %gt3A = arith.cmpi sgt, %iota3A_85, %iota3A_84 : vector<32x32xi32>
    %and3A = arith.andi %eq3A_88, %gt3A : vector<32x32xi1>
    %jit3A_89 = arith.constant 1 : i32
    %jit3A_90 = arith.constant 0 : i32
    %broadcast_in_dim3A_91 = vector.broadcast %jit3A_89 : i32 to vector<32x32xi32>
    %broadcast_in_dim3A_92 = vector.broadcast %jit3A_90 : i32 to vector<32x32xi32>
    %select_n3A_93 = arith.select %and3A, %broadcast_in_dim3A_91, %broadcast_in_dim3A_92 : vector<32x32xi1>, vector<32x32xi32>
    %reduce_max3A_94 = arith.constant dense<-2147483648> : vector<32xi32>
    %reduce_max3A_95 = vector.multi_reduction <maxsi>, %select_n3A_93, %reduce_max3A_94 [1] : vector<32x32xi32> to vector<32xi32>
    %broadcast_in_dim3A_96 = vector.shape_cast %reduce_max3A_95 : vector<32xi32> to vector<32x1xi32>
    %gt3A_97 = arith.constant 0 : i32
    %gt3A_98 = vector.broadcast %gt3A_97 : i32 to vector<32x1xi32>
    %gt3A_99 = arith.cmpi sgt, %broadcast_in_dim3A_96, %gt3A_98 : vector<32x1xi32>
    %iota3A_100 = tpu.iota {dimensions = array<i32: 0>} : vector<32x1xi32>
    %add3A_101 = arith.constant 16384 : i32
    %add3A_102 = vector.broadcast %add3A_101 : i32 to vector<32x1xi32>
    %add3A_103 = arith.addi %add3A_102, %iota3A_100 : vector<32x1xi32>
    %select_n3A_104 = arith.select %gt3A_99, %add3A_103, %broadcast_in_dim3A_83 : vector<32x1xi1>, vector<32x1xi32>
    %swap3A_105 = arith.constant 0 : index
    %swap3A_106 = arith.constant 0 : index
    %swap3A_107 = arith.constant 0 : index
    %swap3A_108 = vector.load %arg6[%swap3A_105, %swap3A_106, %swap3A_107] : memref<1x32x1xi32, #tpu.memory_space<vmem>>, vector<1x32x1xi32>
    %swap3A_109 = vector.shape_cast %swap3A_108 : vector<1x32x1xi32> to vector<32x1xi32>
    %swap3A_110 = vector.shape_cast %select_n3A_104 : vector<32x1xi32> to vector<1x32x1xi32>
    tpu.vector_store %arg6[%swap3A_105, %swap3A_106, %swap3A_107], %swap3A_110 {strides = array<i32>} : memref<1x32x1xi32, #tpu.memory_space<vmem>>, vector<1x32x1xi32>,
    return
  }
  func.func @transform_0(%arg0: i32, %arg1: i32) -> (i32, i32) {
    %c0_i32 = arith.constant 0 : i32
    %c0_i32_0 = arith.constant 0 : i32
    return %c0_i32, %arg1 : i32, i32
  }
  func.func @transform_1(%arg0: i32, %arg1: i32) -> (i32, i32, i32) {
    %c0_i32 = arith.constant 0 : i32
    %c0_i32_0 = arith.constant 0 : i32
    %c0_i32_1 = arith.constant 0 : i32
    return %arg0, %c0_i32, %c0_i32_0 : i32, i32, i32
  }
  func.func @transform_2(%arg0: i32, %arg1: i32) -> (i32, i32, i32) {
    %c0_i32 = arith.constant 0 : i32
    %c0_i32_0 = arith.constant 0 : i32
    return %arg0, %c0_i32, %arg1 : i32, i32, i32
  }
  func.func @transform_3(%arg0: i32, %arg1: i32) -> (i32, i32, i32) {
    %c0_i32 = arith.constant 0 : i32
    %c0_i32_0 = arith.constant 0 : i32
    return %arg0, %c0_i32, %arg1 : i32, i32, i32
  }
  func.func @transform_4(%arg0: i32, %arg1: i32) -> (i32, i32, i32) {
    %c0_i32 = arith.constant 0 : i32
    %c0_i32_0 = arith.constant 0 : i32
    %c0_i32_1 = arith.constant 0 : i32
    return %arg0, %c0_i32, %c0_i32_0 : i32, i32, i32
  }
}

module attributes {stable_mosaic.version = 14 : i64} {
  func.func @_loss_kernel(%arg0: i32, %arg1: i32, %arg2: memref<1x8192x80xf32, #tpu.memory_space<vmem>>, %arg3: memref<1x4x8192xf32, #tpu.memory_space<vmem>>, %arg4: memref<4x8192xf32, #tpu.memory_space<vmem>>, %arg5: memref<1x1x8192xf32, #tpu.memory_space<vmem>>, %arg6: memref<1x5x8192xf32, #tpu.memory_space<vmem>>, %arg7: memref<1x1xf32, #tpu.memory_space<vmem>>, %arg8: memref<1x1xf32, #tpu.memory_space<vmem>>, %arg9: memref<1x1xf32, #tpu.memory_space<vmem>>) attributes {dimension_semantics = [#tpu.dimension_semantics<arbitrary>, #tpu.dimension_semantics<arbitrary>], iteration_bounds = array<i64: 16, 2>, scalar_prefetch = 0 : i64, scratch_operands = 0 : i64, tpu.core_type = #tpu.core_type<tc>, window_params = [{transform_indices = @transform_0, window_bounds = array<i64: 1, 8192, 80>}, {transform_indices = @transform_1, window_bounds = array<i64: 1, 4, 8192>}, {transform_indices = @transform_2, window_bounds = array<i64: 4, 8192>}, {transform_indices = @transform_3, window_bounds = array<i64: 1, 1, 8192>}, {transform_indices = @transform_4, window_bounds = array<i64: 1, 5, 8192>}, {pipeline_mode = #tpu.pipeline_mode<synchronous>, transform_indices = @transform_5, window_bounds = array<i64: 1, 1>}, {pipeline_mode = #tpu.pipeline_mode<synchronous>, transform_indices = @transform_6, window_bounds = array<i64: 1, 1>}, {pipeline_mode = #tpu.pipeline_mode<synchronous>, transform_indices = @transform_7, window_bounds = array<i64: 1, 1>}]} {
    %eq3A = arith.constant 0 : i32
    %eq3A_0 = arith.cmpi eq, %arg0, %eq3A : i32
    %eq3A_1 = arith.constant 0 : i32
    %eq3A_2 = arith.cmpi eq, %arg1, %eq3A_1 : i32
    %and3A = arith.andi %eq3A_0, %eq3A_2 : i1
    %get3A = arith.constant 0 : index
    %get3A_3 = arith.constant 0 : index
    %get3A_4 = arith.constant 0 : index
    %get3A_5 = vector.load %arg5[%get3A, %get3A_3, %get3A_4] : memref<1x1x8192xf32, #tpu.memory_space<vmem>>, vector<1x1x8192xf32>
    %get3A_6 = vector.shape_cast %get3A_5 : vector<1x1x8192xf32> to vector<1x8192xf32>
    %get3A_7 = arith.constant 0 : index
    %get3A_8 = arith.constant 0 : index
    %get3A_9 = arith.constant 0 : index
    %get3A_10 = vector.load %arg6[%get3A_7, %get3A_8, %get3A_9] : memref<1x5x8192xf32, #tpu.memory_space<vmem>>, vector<1x5x8192xf32>
    %get3A_11 = vector.shape_cast %get3A_10 : vector<1x5x8192xf32> to vector<5x8192xf32>
    %ge3A = arith.constant 5.000000e-01 : f32
    %ge3A_12 = vector.broadcast %ge3A : f32 to vector<1x8192xf32>
    %ge3A_13 = arith.cmpf oge, %get3A_6, %ge3A_12 : vector<1x8192xf32>
    %lt3A = arith.constant 4.000000e-01 : f32
    %lt3A_14 = vector.broadcast %lt3A : f32 to vector<1x8192xf32>
    %lt3A_15 = arith.cmpf olt, %get3A_6, %lt3A_14 : vector<1x8192xf32>
    %convert_element_type3A = arith.extui %ge3A_13 : vector<1x8192xi1> to vector<1x8192xi32>
    %convert_element_type3A_16 = arith.sitofp %convert_element_type3A : vector<1x8192xi32> to vector<1x8192xf32>
    %or3A = arith.ori %ge3A_13, %lt3A_15 : vector<1x8192xi1>
    %convert_element_type3A_17 = arith.extui %or3A : vector<1x8192xi1> to vector<1x8192xi32>
    %convert_element_type3A_18 = arith.sitofp %convert_element_type3A_17 : vector<1x8192xi32> to vector<1x8192xf32>
    %get3A_19 = arith.constant 0 : index
    %get3A_20 = arith.constant 0 : index
    %get3A_21 = vector.load %arg4[%get3A_19, %get3A_20] : memref<4x8192xf32, #tpu.memory_space<vmem>>, vector<4x8192xf32>
    %slice3A = vector.extract_strided_slice %get3A_21 {offsets = [0, 0], sizes = [1, 8192], strides = [1, 1]} : vector<4x8192xf32> to vector<1x8192xf32>
    %slice3A_22 = vector.extract_strided_slice %get3A_21 {offsets = [1, 0], sizes = [1, 8192], strides = [1, 1]} : vector<4x8192xf32> to vector<1x8192xf32>
    %slice3A_23 = vector.extract_strided_slice %get3A_21 {offsets = [2, 0], sizes = [1, 8192], strides = [1, 1]} : vector<4x8192xf32> to vector<1x8192xf32>
    %slice3A_24 = vector.extract_strided_slice %get3A_21 {offsets = [3, 0], sizes = [1, 8192], strides = [1, 1]} : vector<4x8192xf32> to vector<1x8192xf32>
    %slice3A_25 = vector.extract_strided_slice %get3A_11 {offsets = [0, 0], sizes = [1, 8192], strides = [1, 1]} : vector<5x8192xf32> to vector<1x8192xf32>
    %slice3A_26 = vector.extract_strided_slice %get3A_11 {offsets = [1, 0], sizes = [1, 8192], strides = [1, 1]} : vector<5x8192xf32> to vector<1x8192xf32>
    %slice3A_27 = vector.extract_strided_slice %get3A_11 {offsets = [2, 0], sizes = [1, 8192], strides = [1, 1]} : vector<5x8192xf32> to vector<1x8192xf32>
    %slice3A_28 = vector.extract_strided_slice %get3A_11 {offsets = [3, 0], sizes = [1, 8192], strides = [1, 1]} : vector<5x8192xf32> to vector<1x8192xf32>
    %add3A = arith.addf %slice3A_25, %slice3A_27 : vector<1x8192xf32>
    %div3A = arith.constant 2.000000e+00 : f32
    %div3A_29 = vector.broadcast %div3A : f32 to vector<1x8192xf32>
    %div3A_30 = arith.divf %add3A, %div3A_29 : vector<1x8192xf32>
    %sub3A = arith.subf %div3A_30, %slice3A : vector<1x8192xf32>
    %mul3A = arith.constant 1.000000e-01 : f32
    %mul3A_31 = vector.broadcast %mul3A : f32 to vector<1x8192xf32>
    %mul3A_32 = arith.mulf %mul3A_31, %slice3A_23 : vector<1x8192xf32>
    %div3A_33 = arith.divf %sub3A, %mul3A_32 : vector<1x8192xf32>
    %add3A_34 = arith.addf %slice3A_26, %slice3A_28 : vector<1x8192xf32>
    %div3A_35 = arith.constant 2.000000e+00 : f32
    %div3A_36 = vector.broadcast %div3A_35 : f32 to vector<1x8192xf32>
    %div3A_37 = arith.divf %add3A_34, %div3A_36 : vector<1x8192xf32>
    %sub3A_38 = arith.subf %div3A_37, %slice3A_22 : vector<1x8192xf32>
    %mul3A_39 = arith.constant 1.000000e-01 : f32
    %mul3A_40 = vector.broadcast %mul3A_39 : f32 to vector<1x8192xf32>
    %mul3A_41 = arith.mulf %mul3A_40, %slice3A_24 : vector<1x8192xf32>
    %div3A_42 = arith.divf %sub3A_38, %mul3A_41 : vector<1x8192xf32>
    %sub3A_43 = arith.subf %slice3A_27, %slice3A_25 : vector<1x8192xf32>
    %div3A_44 = arith.divf %sub3A_43, %slice3A_23 : vector<1x8192xf32>
    %log3A = math.log %div3A_44 : vector<1x8192xf32>
    %div3A_45 = arith.constant 2.000000e-01 : f32
    %div3A_46 = vector.broadcast %div3A_45 : f32 to vector<1x8192xf32>
    %div3A_47 = arith.divf %log3A, %div3A_46 : vector<1x8192xf32>
    %sub3A_48 = arith.subf %slice3A_28, %slice3A_26 : vector<1x8192xf32>
    %div3A_49 = arith.divf %sub3A_48, %slice3A_24 : vector<1x8192xf32>
    %log3A_50 = math.log %div3A_49 : vector<1x8192xf32>
    %div3A_51 = arith.constant 2.000000e-01 : f32
    %div3A_52 = vector.broadcast %div3A_51 : f32 to vector<1x8192xf32>
    %div3A_53 = arith.divf %log3A_50, %div3A_52 : vector<1x8192xf32>
    %concatenate3A = tpu.concatenate %div3A_33, %div3A_42, %div3A_47, %div3A_53 in 0 : vector<1x8192xf32>, vector<1x8192xf32>, vector<1x8192xf32>, vector<1x8192xf32> -> vector<4x8192xf32>
    %get3A_54 = arith.constant 0 : index
    %get3A_55 = arith.constant 0 : index
    %get3A_56 = arith.constant 0 : index
    %get3A_57 = vector.load %arg3[%get3A_54, %get3A_55, %get3A_56] : memref<1x4x8192xf32, #tpu.memory_space<vmem>>, vector<1x4x8192xf32>
    %get3A_58 = vector.shape_cast %get3A_57 : vector<1x4x8192xf32> to vector<4x8192xf32>
    %sub3A_59 = arith.subf %get3A_58, %concatenate3A : vector<4x8192xf32>
    %abs3A = math.absf %sub3A_59 : vector<4x8192xf32>
    %lt3A_60 = arith.constant 1.100000e-01 : f32
    %lt3A_61 = vector.broadcast %lt3A_60 : f32 to vector<4x8192xf32>
    %lt3A_62 = arith.cmpf olt, %abs3A, %lt3A_61 : vector<4x8192xf32>
    %mul3A_63 = arith.constant 19.085537 : f32
    %mul3A_64 = vector.broadcast %mul3A_63 : f32 to vector<4x8192xf32>
    %mul3A_65 = arith.mulf %mul3A_64, %abs3A : vector<4x8192xf32>
    %add3A_66 = arith.constant 1.000000e+00 : f32
    %add3A_67 = vector.broadcast %add3A_66 : f32 to vector<4x8192xf32>
    %add3A_68 = arith.addf %mul3A_65, %add3A_67 : vector<4x8192xf32>
    %mul3A_69 = arith.constant 0.0261978488 : f32
    %mul3A_70 = vector.broadcast %mul3A_69 : f32 to vector<4x8192xf32>
    %mul3A_71 = arith.mulf %mul3A_70, %add3A_68 : vector<4x8192xf32>
    %mul3A_72 = arith.constant 19.085537 : f32
    %mul3A_73 = vector.broadcast %mul3A_72 : f32 to vector<4x8192xf32>
    %mul3A_74 = arith.mulf %mul3A_73, %abs3A : vector<4x8192xf32>
    %div3A_75 = arith.constant 1.100000e-01 : f32
    %div3A_76 = vector.broadcast %div3A_75 : f32 to vector<4x8192xf32>
    %div3A_77 = arith.divf %mul3A_74, %div3A_76 : vector<4x8192xf32>
    %add3A_78 = arith.constant 1.000000e+00 : f32
    %add3A_79 = vector.broadcast %add3A_78 : f32 to vector<4x8192xf32>
    %add3A_80 = arith.addf %div3A_77, %add3A_79 : vector<4x8192xf32>
    %log3A_81 = math.log %add3A_80 : vector<4x8192xf32>
    %mul3A_82 = arith.mulf %mul3A_71, %log3A_81 : vector<4x8192xf32>
    %mul3A_83 = arith.constant 5.000000e-01 : f32
    %mul3A_84 = vector.broadcast %mul3A_83 : f32 to vector<4x8192xf32>
    %mul3A_85 = arith.mulf %mul3A_84, %abs3A : vector<4x8192xf32>
    %sub3A_86 = arith.subf %mul3A_82, %mul3A_85 : vector<4x8192xf32>
    %mul3A_87 = arith.constant 1.500000e+00 : f32
    %mul3A_88 = vector.broadcast %mul3A_87 : f32 to vector<4x8192xf32>
    %mul3A_89 = arith.mulf %mul3A_88, %abs3A : vector<4x8192xf32>
    %add3A_90 = arith.constant 0.0785935446 : f32
    %add3A_91 = vector.broadcast %add3A_90 : f32 to vector<4x8192xf32>
    %add3A_92 = arith.addf %mul3A_89, %add3A_91 : vector<4x8192xf32>
    %sub3A_93 = arith.constant 5.500000e-02 : f32
    %sub3A_94 = vector.broadcast %sub3A_93 : f32 to vector<4x8192xf32>
    %sub3A_95 = arith.subf %add3A_92, %sub3A_94 : vector<4x8192xf32>
    %select_n3A = arith.select %lt3A_62, %sub3A_86, %sub3A_95 : vector<4x8192xi1>, vector<4x8192xf32>
    %mul3A_96 = vector.broadcast %convert_element_type3A_16 : vector<1x8192xf32> to vector<4x8192xf32>
    %mul3A_97 = arith.mulf %select_n3A, %mul3A_96 : vector<4x8192xf32>
    %reduce_sum3A = vector.shape_cast %mul3A_97 : vector<4x8192xf32> to vector<1x4x8192xf32>
    %reduce_sum3A_98 = arith.constant dense<0.000000e+00> : vector<1xf32>
    %reduce_sum3A_99 = vector.multi_reduction <add>, %reduce_sum3A, %reduce_sum3A_98 [1, 2] : vector<1x4x8192xf32> to vector<1xf32>
    %reduce_sum3A_100 = vector.shape_cast %reduce_sum3A_99 : vector<1xf32> to vector<1x1x1xf32>
    %reduce_sum3A_101 = vector.extract %reduce_sum3A_100[0, 0, 0] : f32 from vector<1x1x1xf32>
    %slice3A_102 = vector.extract_strided_slice %get3A_11 {offsets = [4, 0], sizes = [1, 8192], strides = [1, 1]} : vector<5x8192xf32> to vector<1x8192xf32>
    %jit3A = arith.constant -1.000000e+00 : f32
    %broadcast_in_dim3A = vector.broadcast %jit3A : f32 to vector<1x8192xf32>
    %select_n3A_103 = arith.select %ge3A_13, %slice3A_102, %broadcast_in_dim3A : vector<1x8192xi1>, vector<1x8192xf32>
    %broadcast_in_dim3A_104 = arith.constant 0.000000e+00 : f32
    %broadcast_in_dim3A_105 = vector.broadcast %broadcast_in_dim3A_104 : f32 to vector<6x8192xf32>
    %concatenate3A_106 = tpu.concatenate %convert_element_type3A_18, %select_n3A_103, %broadcast_in_dim3A_105 in 0 : vector<1x8192xf32>, vector<1x8192xf32>, vector<6x8192xf32> -> vector<8x8192xf32>
    %transpose3A = tpu.transpose %concatenate3A_106, [1, 0] : vector<8x8192xf32> -> vector<8192x8xf32>
    %slice3A_107 = vector.extract_strided_slice %transpose3A {offsets = [0, 0], sizes = [8192, 1], strides = [1, 1]} : vector<8192x8xf32> to vector<8192x1xf32>
    %slice3A_108 = vector.extract_strided_slice %transpose3A {offsets = [0, 1], sizes = [8192, 1], strides = [1, 1]} : vector<8192x8xf32> to vector<8192x1xf32>
    %get3A_109 = arith.constant 0 : index
    %get3A_110 = arith.constant 0 : index
    %get3A_111 = arith.constant 0 : index
    %get3A_112 = vector.load %arg2[%get3A_109, %get3A_110, %get3A_111] : memref<1x8192x80xf32, #tpu.memory_space<vmem>>, vector<1x8192x80xf32>
    %get3A_113 = vector.shape_cast %get3A_112 : vector<1x8192x80xf32> to vector<8192x80xf32>
    %abs3A_114 = math.absf %get3A_113 : vector<8192x80xf32>
    %neg3A = arith.constant 0.000000e+00 : f32
    %neg3A_115 = vector.broadcast %neg3A : f32 to vector<8192x80xf32>
    %neg3A_116 = arith.subf %neg3A_115, %abs3A_114 : vector<8192x80xf32>
    %exp3A = math.exp %neg3A_116 : vector<8192x80xf32>
    %add3A_117 = arith.constant 1.000000e+00 : f32
    %add3A_118 = vector.broadcast %add3A_117 : f32 to vector<8192x80xf32>
    %add3A_119 = arith.addf %add3A_118, %exp3A : vector<8192x80xf32>
    %log3A_120 = math.log %add3A_119 : vector<8192x80xf32>
    %max3A = arith.constant 0.000000e+00 : f32
    %max3A_121 = vector.broadcast %max3A : f32 to vector<8192x80xf32>
    %max3A_122 = arith.maximumf %get3A_113, %max3A_121 : vector<8192x80xf32>
    %add3A_123 = arith.addf %max3A_122, %log3A_120 : vector<8192x80xf32>
    %div3A_124 = arith.constant 1.000000e+00 : f32
    %div3A_125 = vector.broadcast %div3A_124 : f32 to vector<8192x80xf32>
    %div3A_126 = arith.divf %div3A_125, %add3A_119 : vector<8192x80xf32>
    %mul3A_127 = arith.mulf %exp3A, %div3A_126 : vector<8192x80xf32>
    %ge3A_128 = arith.constant 0.000000e+00 : f32
    %ge3A_129 = vector.broadcast %ge3A_128 : f32 to vector<8192x80xf32>
    %ge3A_130 = arith.cmpf oge, %get3A_113, %ge3A_129 : vector<8192x80xf32>
    %select_n3A_131 = arith.select %ge3A_130, %div3A_126, %mul3A_127 : vector<8192x80xi1>, vector<8192x80xf32>
    %mul3A_132 = arith.constant 7.500000e-01 : f32
    %mul3A_133 = vector.broadcast %mul3A_132 : f32 to vector<8192x80xf32>
    %mul3A_134 = arith.mulf %select_n3A_131, %mul3A_133 : vector<8192x80xf32>
    %mul3A_135 = arith.mulf %add3A_123, %mul3A_134 : vector<8192x80xf32>
    %sub3A_136 = arith.subf %add3A_123, %get3A_113 : vector<8192x80xf32>
    %mul3A_137 = arith.constant 2.500000e-01 : f32
    %mul3A_138 = vector.broadcast %mul3A_137 : f32 to vector<8192x80xf32>
    %mul3A_139 = arith.mulf %mul3A_138, %select_n3A_131 : vector<8192x80xf32>
    %sub3A_140 = arith.constant 2.500000e-01 : f32
    %sub3A_141 = vector.broadcast %sub3A_140 : f32 to vector<8192x80xf32>
    %sub3A_142 = arith.subf %sub3A_141, %mul3A_139 : vector<8192x80xf32>
    %mul3A_143 = arith.mulf %sub3A_136, %sub3A_142 : vector<8192x80xf32>
    %iota3A = tpu.iota {dimensions = array<i32: 1>} : vector<8192x80xi32>
    %convert_element_type3A_144 = arith.sitofp %iota3A : vector<8192x80xi32> to vector<8192x80xf32>
    %eq3A_145 = vector.broadcast %slice3A_108 : vector<8192x1xf32> to vector<8192x80xf32>
    %eq3A_146 = arith.cmpf oeq, %convert_element_type3A_144, %eq3A_145 : vector<8192x80xf32>
    %jit3A_147 = arith.constant 1.000000e+00 : f32
    %jit3A_148 = arith.constant 0.000000e+00 : f32
    %broadcast_in_dim3A_149 = vector.broadcast %jit3A_147 : f32 to vector<8192x80xf32>
    %broadcast_in_dim3A_150 = vector.broadcast %jit3A_148 : f32 to vector<8192x80xf32>
    %select_n3A_151 = arith.select %eq3A_146, %broadcast_in_dim3A_149, %broadcast_in_dim3A_150 : vector<8192x80xi1>, vector<8192x80xf32>
    %sub3A_152 = vector.broadcast %slice3A_107 : vector<8192x1xf32> to vector<8192x80xf32>
    %sub3A_153 = arith.subf %sub3A_152, %select_n3A_151 : vector<8192x80xf32>
    %mul3A_154 = arith.mulf %mul3A_135, %sub3A_153 : vector<8192x80xf32>
    %mul3A_155 = arith.mulf %mul3A_143, %select_n3A_151 : vector<8192x80xf32>
    %add3A_156 = arith.addf %mul3A_154, %mul3A_155 : vector<8192x80xf32>
    %reduce_sum3A_157 = vector.shape_cast %add3A_156 : vector<8192x80xf32> to vector<1x8192x80xf32>
    %reduce_sum3A_158 = arith.constant dense<0.000000e+00> : vector<1xf32>
    %reduce_sum3A_159 = vector.multi_reduction <add>, %reduce_sum3A_157, %reduce_sum3A_158 [1, 2] : vector<1x8192x80xf32> to vector<1xf32>
    %reduce_sum3A_160 = vector.shape_cast %reduce_sum3A_159 : vector<1xf32> to vector<1x1x1xf32>
    %reduce_sum3A_161 = vector.extract %reduce_sum3A_160[0, 0, 0] : f32 from vector<1x1x1xf32>
    %reduce_sum3A_162 = vector.shape_cast %convert_element_type3A_16 : vector<1x8192xf32> to vector<1x1x8192xf32>
    %reduce_sum3A_163 = arith.constant dense<0.000000e+00> : vector<1xf32>
    %reduce_sum3A_164 = vector.multi_reduction <add>, %reduce_sum3A_162, %reduce_sum3A_163 [1, 2] : vector<1x1x8192xf32> to vector<1xf32>
    %reduce_sum3A_165 = vector.shape_cast %reduce_sum3A_164 : vector<1xf32> to vector<1x1x1xf32>
    %reduce_sum3A_166 = vector.extract %reduce_sum3A_165[0, 0, 0] : f32 from vector<1x1x1xf32>
    %convert_element_type3A_167 = arith.extui %and3A : i1 to i32
    %cond3A = arith.constant 0 : i32
    %cond3A_168 = arith.cmpi ne, %convert_element_type3A_167, %cond3A : i32
    scf.if %cond3A_168 {
      %broadcast_in_dim3A_191 = arith.constant 0.000000e+00 : f32
      %broadcast_in_dim3A_192 = vector.broadcast %broadcast_in_dim3A_191 : f32 to vector<1x1xf32>
      %swap3A_193 = arith.constant 0 : index
      %swap3A_194 = arith.constant 0 : index
      %swap3A_195 = vector.load %arg7[%swap3A_193, %swap3A_194] : memref<1x1xf32, #tpu.memory_space<vmem>>, vector<1x1xf32>
      tpu.vector_store %arg7[%swap3A_193, %swap3A_194], %broadcast_in_dim3A_192 {strides = array<i32>} : memref<1x1xf32, #tpu.memory_space<vmem>>, vector<1x1xf32>,
      %broadcast_in_dim3A_196 = arith.constant 0.000000e+00 : f32
      %broadcast_in_dim3A_197 = vector.broadcast %broadcast_in_dim3A_196 : f32 to vector<1x1xf32>
      %swap3A_198 = arith.constant 0 : index
      %swap3A_199 = arith.constant 0 : index
      %swap3A_200 = vector.load %arg8[%swap3A_198, %swap3A_199] : memref<1x1xf32, #tpu.memory_space<vmem>>, vector<1x1xf32>
      tpu.vector_store %arg8[%swap3A_198, %swap3A_199], %broadcast_in_dim3A_197 {strides = array<i32>} : memref<1x1xf32, #tpu.memory_space<vmem>>, vector<1x1xf32>,
      %broadcast_in_dim3A_201 = arith.constant 0.000000e+00 : f32
      %broadcast_in_dim3A_202 = vector.broadcast %broadcast_in_dim3A_201 : f32 to vector<1x1xf32>
      %swap3A_203 = arith.constant 0 : index
      %swap3A_204 = arith.constant 0 : index
      %swap3A_205 = vector.load %arg9[%swap3A_203, %swap3A_204] : memref<1x1xf32, #tpu.memory_space<vmem>>, vector<1x1xf32>
      tpu.vector_store %arg9[%swap3A_203, %swap3A_204], %broadcast_in_dim3A_202 {strides = array<i32>} : memref<1x1xf32, #tpu.memory_space<vmem>>, vector<1x1xf32>,
    } else {
    }
    %get3A_169 = arith.constant 0 : index
    %get3A_170 = arith.constant 0 : index
    %get3A_171 = vector.load %arg7[%get3A_169, %get3A_170] : memref<1x1xf32, #tpu.memory_space<vmem>>, vector<1x1xf32>
    %reshape3A = vector.broadcast %reduce_sum3A_101 : f32 to vector<1x1xf32>
    %add3A_172 = arith.addf %get3A_171, %reshape3A : vector<1x1xf32>
    %swap3A = arith.constant 0 : index
    %swap3A_173 = arith.constant 0 : index
    %swap3A_174 = vector.load %arg7[%swap3A, %swap3A_173] : memref<1x1xf32, #tpu.memory_space<vmem>>, vector<1x1xf32>
    tpu.vector_store %arg7[%swap3A, %swap3A_173], %add3A_172 {strides = array<i32>} : memref<1x1xf32, #tpu.memory_space<vmem>>, vector<1x1xf32>,
    %get3A_175 = arith.constant 0 : index
    %get3A_176 = arith.constant 0 : index
    %get3A_177 = vector.load %arg8[%get3A_175, %get3A_176] : memref<1x1xf32, #tpu.memory_space<vmem>>, vector<1x1xf32>
    %reshape3A_178 = vector.broadcast %reduce_sum3A_161 : f32 to vector<1x1xf32>
    %add3A_179 = arith.addf %get3A_177, %reshape3A_178 : vector<1x1xf32>
    %swap3A_180 = arith.constant 0 : index
    %swap3A_181 = arith.constant 0 : index
    %swap3A_182 = vector.load %arg8[%swap3A_180, %swap3A_181] : memref<1x1xf32, #tpu.memory_space<vmem>>, vector<1x1xf32>
    tpu.vector_store %arg8[%swap3A_180, %swap3A_181], %add3A_179 {strides = array<i32>} : memref<1x1xf32, #tpu.memory_space<vmem>>, vector<1x1xf32>,
    %get3A_183 = arith.constant 0 : index
    %get3A_184 = arith.constant 0 : index
    %get3A_185 = vector.load %arg9[%get3A_183, %get3A_184] : memref<1x1xf32, #tpu.memory_space<vmem>>, vector<1x1xf32>
    %reshape3A_186 = vector.broadcast %reduce_sum3A_166 : f32 to vector<1x1xf32>
    %add3A_187 = arith.addf %get3A_185, %reshape3A_186 : vector<1x1xf32>
    %swap3A_188 = arith.constant 0 : index
    %swap3A_189 = arith.constant 0 : index
    %swap3A_190 = vector.load %arg9[%swap3A_188, %swap3A_189] : memref<1x1xf32, #tpu.memory_space<vmem>>, vector<1x1xf32>
    tpu.vector_store %arg9[%swap3A_188, %swap3A_189], %add3A_187 {strides = array<i32>} : memref<1x1xf32, #tpu.memory_space<vmem>>, vector<1x1xf32>,
    return
  }
  func.func @transform_0(%arg0: i32, %arg1: i32) -> (i32, i32, i32) {
    %c0_i32 = arith.constant 0 : i32
    %c0_i32_0 = arith.constant 0 : i32
    return %arg0, %arg1, %c0_i32 : i32, i32, i32
  }
  func.func @transform_1(%arg0: i32, %arg1: i32) -> (i32, i32, i32) {
    %c0_i32 = arith.constant 0 : i32
    %c0_i32_0 = arith.constant 0 : i32
    return %arg0, %c0_i32, %arg1 : i32, i32, i32
  }
  func.func @transform_2(%arg0: i32, %arg1: i32) -> (i32, i32) {
    %c0_i32 = arith.constant 0 : i32
    %c0_i32_0 = arith.constant 0 : i32
    return %c0_i32, %arg1 : i32, i32
  }
  func.func @transform_3(%arg0: i32, %arg1: i32) -> (i32, i32, i32) {
    %c0_i32 = arith.constant 0 : i32
    %c0_i32_0 = arith.constant 0 : i32
    return %arg0, %c0_i32, %arg1 : i32, i32, i32
  }
  func.func @transform_4(%arg0: i32, %arg1: i32) -> (i32, i32, i32) {
    %c0_i32 = arith.constant 0 : i32
    %c0_i32_0 = arith.constant 0 : i32
    return %arg0, %c0_i32, %arg1 : i32, i32, i32
  }
  func.func @transform_5(%arg0: i32, %arg1: i32) -> (i32, i32) {
    %c0_i32 = arith.constant 0 : i32
    %c0_i32_0 = arith.constant 0 : i32
    %c0_i32_1 = arith.constant 0 : i32
    return %c0_i32, %c0_i32_0 : i32, i32
  }
  func.func @transform_6(%arg0: i32, %arg1: i32) -> (i32, i32) {
    %c0_i32 = arith.constant 0 : i32
    %c0_i32_0 = arith.constant 0 : i32
    %c0_i32_1 = arith.constant 0 : i32
    return %c0_i32, %c0_i32_0 : i32, i32
  }
  func.func @transform_7(%arg0: i32, %arg1: i32) -> (i32, i32) {
    %c0_i32 = arith.constant 0 : i32
    %c0_i32_0 = arith.constant 0 : i32
    %c0_i32_1 = arith.constant 0 : i32
    return %c0_i32, %c0_i32_0 : i32, i32
  }
}

</mosaic_0001>

<sc_bundles>
// kernel: kernel.5.cloned.1.call-start
scs
__scs_entry_jumppad:
0x0: {  	(pc) =	sbr.rel $0x88, $3  }
0x1: {  	(tag) =	ssettag $0x0;
	lr =	simm.s32 $0x1  }
0x2: {  	[smem:$0x3F9D] =	sst lr;
	_ =	strace $0xD0000000  }
0x3: {  	_ = 	snop  }
0x4: {  	_ = 	snop  }
0x5: {  	_ = 	snop  }
0x6: {  	_ = 	snop  }
0x7: {  	_ = 	snop  }
__scs_overlays_trampoline_lowered:
0x8: {  	[smem:$0x3FAC] =	sst s0  }
0x9: {  	[smem:$0x3FAD] =	sst s1  }
0xa: {  	[smem:$0x3FAE] =	sst s2  }
0xb: {  	[smem:$0x3FAF] =	sst s3  }
0xc: {  	[smem:$0x3FB0] =	sst s4  }
0xd: {  	[smem:$0x3FB1] =	sst s5  }
0xe: {  	[smem:$0x3FB2] =	sst s6  }
0xf: {  	[smem:$0x3FB3] =	sst s7  }
0x10: {  	[smem:$0x3FB4] =	sst s8  }
0x11: {  	[smem:$0x3FB5] =	sst s9;
	s0 =	simm.s32 @!p0 $0x0  }
0x12: {  	s1 =	sld [smem:$0x3F9B];
	s0 =	simm.s32 @p0 $0x1  }
0x13: {  	[smem:$0x3FB6] =	sst s0;
	s0 =	simm.s32 @!p1 $0x0  }
0x14: {  	s2 =	sld [smem:$0x3F9A];
	s0 =	simm.s32 @p1 $0x1  }
0x15: {  	[smem:$0x3FB7] =	sst s0;
	s0 =	simm.s32 @!p2 $0x0  }
0x16: {  	s3 =	sld [smem:$0x3FDB];
	s0 =	simm.s32 @p2 $0x1  }
0x17: {  	s4 =	simm.s32 $0x1BF5;
	[smem:$0x3FB9] =	sst s0  }
0x18: {  	s0 =	sld [smem:$0x3F9C];
	_ =	swait.ge [sflag:s4], $0x0  }
0x19: {  	s7 =	sld [smem:$0x3F9D]  }
0x1a: {  	s8 =	sadd.s32 $0xFFFFE003, lr  }
0x1b: {  	s9 =	sadd.s32 $0xFFFFFEF7, lr;
	s5 =	simm.s32 $0xFFFFFFFF;
	p2 =	slt.u32 s8, $0xFFFFF086  }
0x1c: {  	p1 =	slt.u32 s9, $0xF7A;
	s5 =	simm.s32 @!p2 $0x0  }
0x1d: {  	s5 =	simm.s32 @p1 $0x1;
	p0 =	seq.s32 s7, s2  }
0x1e: {  	s7 =	smul.u32 @!p0 $0xF7A, s2;
	p2 =	seq.s32 @!p0 s5, $0x0  }
0x1f: {  	s9 =	smul.u32 $0xF7A, s1;
	s8 =	simm.s32 @!p0 $0x1BF5;
	p2 =	por !p2, p0  }
0x20: {  	[sflag:s8] =	ssyncset.s32 @!p0 $0xFFFFF086;
	s6 =	sadd.s32 @!p0 s3, s7;
	s7 =	simm.s32 @!p0 $0x108  }
0x21: {  	s3 =	sadd.s32 s3, s9;
	s6 =	sadd.s32 @!p0 $0x88, s6;
	s7 =	simm.s32 @p2 $0x1082  }
0x22: {  	[simem:s7], [sflag:s8] =	dma.local @!p0 [hbm:s6], $0xF7A  }
0x23: {  	s9 =	sor.u32 $0xD0000000, s2;
	s6 =	simm.s32 $0x108;
	_ =	swait.ge @!p0 [sflag:s8], $0x0  }
0x24: {  	s3 =	sadd.s32 $0x88, s3;
	s6 =	simm.s32 @!p1 $0x1082;
	[sflag:s4] =	ssyncset.s32 $0xFFFFF086  }
0x25: {  	[simem:s6], [sflag:s4] =	dma.local [hbm:s3], $0xF7A  }
0x26: {  	[smem:$0x3F9D] =	sst s1;
	(tag) =	ssettag s2;
	_ =	strace s9  }
0x27: {  	s1 =	sld [smem:$0x3FAD]  }
0x28: {  	s2 =	sld [smem:$0x3FAE]  }
0x29: {  	s4 =	sld [smem:$0x3FB0]  }
0x2a: {  	p0 =	seq.s32 s5, $0x0;
	s5 =	sld [smem:$0x3FB1]  }
0x2b: {  	s6 =	sld [smem:$0x3FB2]  }
0x2c: {  	s7 =	sld [smem:$0x3FB3]  }
0x2d: {  	s3 =	simm.s32 $0x108;
	s8 =	sld [smem:$0x3FB4]  }
0x2e: {  	s3 =	simm.s32 @!p0 $0x1082;
	s9 =	sld [smem:$0x3FB5]  }
0x2f: {  	lr =	sadd.s32 s0, s3;
	s0 =	sld [smem:$0x3FAC]  }
0x30: {  	s3 =	sld [smem:$0x3FAF]  }
0x31: {  	[smem:$0x3FB8] =	sst s10  }
0x32: {  	s10 =	sld [smem:$0x3FB6];
	_ =	sdelay $0x3  }
0x33: {  	p0 =	seq.s32 s10, $0x1;
	s10 =	sld [smem:$0x3FB8];
	_ =	sdelay $0x3  }
0x34: {  	[smem:$0x3FB8] =	sst s10  }
0x35: {  	s10 =	sld [smem:$0x3FB7];
	_ =	sdelay $0x3  }
0x36: {  	p1 =	seq.s32 s10, $0x1;
	s10 =	sld [smem:$0x3FB8];
	_ =	sdelay $0x3  }
0x37: {  	[smem:$0x3FB8] =	sst s10  }
0x38: {  	s10 =	sld [smem:$0x3FB9]  }
0x39: {  	_ = 	snop;
	(pc) =	sbr.ind lr, $3  }
0x3a: {  	_ = 	snop  }
0x3b: {  	_ = 	snop  }
0x3c: {  	p2 =	seq.s32 s10, $0x1;
	s10 =	sld [smem:$0x3FB8]  }
0x3d: {  	_ =	shalt  }
0x3e: {  	_ =	shalt  }
0x3f: {  	_ =	shalt  }
0x40: {  	_ =	shalt  }
0x41: {  	_ =	shalt  }
0x42: {  	_ =	shalt  }
0x43: {  	_ =	shalt  }
0x44: {  	_ =	shalt  }
0x45: {  	_ =	shalt  }
0x46: {  	_ =	shalt  }
0x47: {  	_ =	shalt  }
0x48: {  	_ =	shalt  }
0x49: {  	_ =	shalt  }
0x4a: {  	_ =	shalt  }
0x4b: {  	_ =	shalt  }
0x4c: {  	_ =	shalt  }
0x4d: {  	_ =	shalt  }
0x4e: {  	_ =	shalt  }
0x4f: {  	_ =	shalt  }
0x50: {  	_ =	shalt  }
0x51: {  	_ =	shalt  }
0x52: {  	_ =	shalt  }
0x53: {  	_ =	shalt  }
0x54: {  	_ =	shalt  }
0x55: {  	_ =	shalt  }
0x56: {  	_ =	shalt  }
0x57: {  	_ =	shalt  }
0x58: {  	_ =	shalt  }
0x59: {  	_ =	shalt  }
0x5a: {  	_ =	shalt  }
0x5b: {  	_ =	shalt  }
0x5c: {  	_ =	shalt  }
0x5d: {  	_ =	shalt  }
0x5e: {  	_ =	shalt  }
0x5f: {  	_ =	shalt  }
0x60: {  	_ =	shalt  }
0x61: {  	_ =	shalt  }
0x62: {  	_ =	shalt  }
0x63: {  	_ =	shalt  }
0x64: {  	_ =	shalt  }
0x65: {  	_ =	shalt  }
0x66: {  	_ =	shalt  }
0x67: {  	_ =	shalt  }
0x68: {  	_ =	shalt  }
0x69: {  	_ =	shalt  }
0x6a: {  	_ =	shalt  }
0x6b: {  	_ =	shalt  }
0x6c: {  	_ =	shalt  }
0x6d: {  	_ =	shalt  }
0x6e: {  	_ =	shalt  }
0x6f: {  	_ =	shalt  }
0x70: {  	_ =	shalt  }
0x71: {  	_ =	shalt  }
0x72: {  	_ =	shalt  }
0x73: {  	_ =	shalt  }
0x74: {  	_ =	shalt  }
0x75: {  	_ =	shalt  }
0x76: {  	_ =	shalt  }
0x77: {  	_ =	shalt  }
0x78: {  	_ =	shalt  }
0x79: {  	_ =	shalt  }
0x7a: {  	_ =	shalt  }
0x7b: {  	_ =	shalt  }
0x7c: {  	_ =	shalt  }
0x7d: {  	_ =	shalt  }
0x7e: {  	_ =	shalt  }
0x7f: {  	_ =	shalt  }
0x80: {  	_ =	shalt  }
0x81: {  	_ =	shalt  }
0x82: {  	_ =	shalt  }
0x83: {  	_ =	shalt  }
0x84: {  	_ =	shalt  }
0x85: {  	_ =	shalt  }
0x86: {  	_ =	shalt  }
0x87: {  	_ =	shalt  }
.Lfunc_end0:
.L_simem_size_0:
called_computation_lowered:
.L_overlay_start_0:
0x88: {  	s2 =	sld [smem:$0x3FD9]  }
0x89: {  	s3 =	sld [smem:$0x3FFE];
	_ =	sdelay $0x1  }
0x8a: {  	s1 =	srdreg.scid  }
0x8b: {  	s0 =	sand.u32 $0x1, s1  }
0x8c: {  	s16 =	sshll.u32 s0, $0xA;
	s2 =	sadd.s32 s3, s2  }
0x8d: {  	s2 =	sadd.s32 s2, s16  }
0x8e: {  	[smem:$0x3FC4] =	sst s2  }
0x8f: {  	_ = 	snop  }
0x90: {  	(tm) =	ssettm $0x1  }
0x91: {  	s17 =	sld [smem:$0x3FFB];
	_ =	sdelay $0x3  }
0x92: {  	_ =	strace s17  }
0x93: {  	s2 =	sld [smem:$0x3FFC];
	_ =	sdelay $0x3  }
0x94: {  	_ =	strace s2  }
0x95: {  	s2 =	sld [smem:$0x3FFD];
	_ =	sdelay $0x3  }
0x96: {  	_ =	strace s2  }
0x97: {  	_ =	strace $0x8FFFFFFF  }
0x98: {  	s18 =	sld [smem:$0x3FDB];
	_ =	sdelay $0x1  }
0x99: {  	s19 =	simm.s32 $_scs_section_size  }
0x9a: {  	s4 =	simm.s32 $_size__tile_overlayer_lowered;
	s5 =	simm.s32 $_tile_overlayer_lowered  }
0x9b: {  	s22 =	simm.s32 $0x1BFF;
	s21 =	sshll.u32 s5, $0x1;
	s2 =	sadd.s32 s19, s18  }
0x9c: {  	s6 =	simm.s32 $0x0;
	s20 =	sshll.u32 s4, $0x1;
	s4 =	sadd.s32 s21, s2  }
0x9d: {  	[timem:s6], [sflag:s22] =	dma.local [hbm:s4], s20  }
0x9e: {  	_ =	swait.ge [sflag:s22], s20  }
0x9f: {  	s3 =	ssub.s32 $0x0, s20;
	[sflag:s22] =	ssyncset.done $0x0  }
0xa0: {  	[sflag:s22] =	ssyncadd.s32 s3;
	_ =	sdelay $0x1  }
0xa1: {  	s23 =	simm.s32 $0x1B8B  }
0xa2: {  	_ =	swait.ge [sflag:s23], $0x1  }
0xa3: {  	[sflag:s23] =	ssyncset.done $0x0  }
0xa4: {  	s25 =	simm.s32 $0x1B8E;
	s24 =	sld [smem:$0x3FFE];
	[sflag:s23] =	ssyncadd.s32 $0xFFFFFFFF  }
0xa5: {  	s26 =	simm.s32 $execute0_lowered;
	[smem:$0x3FD2] =	sst s25  }
0xa6: {  	s4 =	sshll.u32 s26, $0x1;
	_ =	strace $0x80000046;
	[dreg:$0x1] =	wrdreg $0xFFFFFFFF  }
0xa7: {  	s28 =	simm.s32 $_size_execute0_lowered;
	s2 =	sadd.s32 s2, s4;
	[dreg:$0x0] =	wrdreg $0x0  }
0xa8: {  	s4 =	sshll.u32 s28, $0x1;
	[dreg:$0x2] =	wrdreg s2  }
0xa9: {  	[dreg:$0x3] =	wrdreg s4  }
0xaa: {  	[dreg:$0x4] =	wrdreg $0xC0  }
0xab: {  	_ =	task [dreg:s6], $0x5FFFF  }
0xac: {  	[dreg:$0x1] =	wrdreg $0xFFFFFFFF  }
0xad: {  	[dreg:$0x0] =	wrdreg $0x60  }
0xae: {  	[dreg:$0x2] =	wrdreg s24  }
0xaf: {  	[dreg:$0x3] =	wrdreg $0x9  }
0xb0: {  	_ =	task.clear_ibuf [dreg:s6], $0x4FFFF;
	_ =	strace $0x90000046  }
0xb1: {  	s29 =	simm.s32 $0x9;
	_ =	strace $0x80000048  }
0xb2: {  	_ =	swait.ge [sflag:s29], $0x1  }
0xb3: {  	[sflag:s29] =	ssyncadd.s32 $0xFFFFFFFF  }
0xb4: {  	_ =	strace $0x90000048  }
0xb5: {  	_ =	sfence  }
0xb6: {  	s30 =	sld [smem:$0x0];
	_ =	sdelay $0x2  }
0xb7: {  	s31 =	sshll.u32 s1, $0xD;
	s1 =	sshrl.u32 s1, $0x2  }
0xb8: {  	s3 =	sand.u32 $0x4000, s31;
	s1 =	sadd.s32 s1, s30  }
0xb9: {  	s0 =	sor.u32 s3, s0;
	s1 =	sshll.u32 s1, $0x11  }
0xba: {  	s0 =	sor.u32 s1, s0  }
0xbb: {  	s0 =	sadd.s32 $0x8F2B, s0  }
0xbc: {  	[sflag:s0] =	ssyncadd.remote.s32 $0x1  }
0xbd: {  	_ =	sfence.sel $0xFFFF  }
0xbe: {  	[dreg:$0x0] =	wrdreg $0xFFFFFFFF;
	(pc) =	sbr.abs _section_cstart, $3  }
0xbf: {  	[dreg:$0x1] =	wrdreg $0xFFFFFFFF  }
0xc0: {  	_ =	task.clear_ibuf [dreg:s6], $0x2FFFF;
	_ =	strace $0x9FFFFFFF  }
0xc1: {  	(tm) =	ssettm $0x7FFFFFFF  }
tec
execute0_lowered:
.L_overlay_start_1:
0x0: {  	(tag) =	ssettag $0x1  }
0x1: {  	s0 =	srdreg.scid  }
0x2: {  	s3 =	stileid.u32;
	s4 =	rddreg [dreg:$0x0];
	s2 =	simm.s32 $0x0  }
0x3: {  	s19 =	simm.s32 $0x2000;
	s28 =	simm.s32 $0x6300;
	s0 =	sand.u32 $0x1, s0  }
0x4: {  	s29 =	simm.s32 $0x8300;
	s30 =	simm.s32 $0xA300;
	s1 =	sor.u32 s0, s3  }
0x5: {  	s31 =	simm.s32 $0xC300;
	p1 =	seq.s32 s0, $0x1;
	p0 =	seq.s32 s1, $0x0  }
0x6: {  	[smem:$0x7FF] =	sst s2;
	s20 =	sshll.u32 s0, $0xD;
	p0 =	por !p0, !p1  }
0x7: {  	s0 =	ssub.s32 $0x2, s0;
	s1 =	simm.s32 $0x1;
	p0 =	por !p0, !p0  }
0x8: {  	s11 =	sadd.s32 $0x1400, s4;
	s7 =	sshrl.u32 s0, $0x1;
	s1 =	simm.s32 @!p0 $0x0  }
0x9: {  	s17 =	sadd.s32 $0x11C00, s4;
	s0 =	ssub.s32 s0, s7;
	s1 =	ssub.s32 s3, s1  }
0xa: {  	_ =	strace $0x80000047;
	s18 =	smax.u32 s0, $0x1;
	s5 =	sshll.u32 s1, $0x4  }
0xb: {  	s3 =	simm.s32 $0x1;
	s10 =	smul.u32 $0x280, s1;
	s5 =	sand.u32 $0x1FFFFFF0, s5  }
0xc: {  	s21 =	sshll.u32 s1, $0xE;
	s1 =	smul.u32 $0x14000, s1;
	s6 =	sadd.s32 s5, s4  }
0xd: {  	s5 =	sor.u32 s20, s21;
	s22 =	sadd.s32 $0x80, s10;
	s8 =	sshrl.u32 s10, $0x3  }
0xe: {  	s23 =	sadd.s32 $0x100, s10;
	s13 =	sadd.s32 $0x180, s10;
	s14 =	sadd.s32 $0x200, s10  }
0xf: {  	s1 =	sor.u32 s20, s1;
	s21 =	simm.s32 $0x4080;
	s5 =	sshrl.u32 s5, $0x3  }
0x10: {  	s6 =	sadd.s32 $0x11A00, s6;
	s9 =	sshrl.u32 s22, $0x3;
	s7 =	sadd.s32 s11, s8  }
0x11: {  	s13 =	sshrl.u32 s13, $0x3;
	s24 =	sshrl.u32 s14, $0x3;
	s25 =	sshrl.u32 s1, $0x3  }
0x12: {  	s26 =	sadd.s32 $0x4000, s1;
	s15 =	sadd.s32 $0x8000, s1;
	s16 =	sadd.s32 $0xC000, s1  }
0x13: {  	s1 =	sadd.s32 $0x10000, s1;
	s22 =	simm.s32 $0x4100;
	s12 =	sadd.s32 s5, s4  }
0x14: {  	s8 =	sadd.s32 s11, s9;
	s9 =	sshrl.u32 s23, $0x3;
	s10 =	sadd.s32 s11, s13  }
0x15: {  	s13 =	sadd.s32 s17, s25;
	s14 =	sshrl.u32 s26, $0x3;
	s15 =	sshrl.u32 s15, $0x3  }
0x16: {  	s16 =	sshrl.u32 s16, $0x3;
	s1 =	sshrl.u32 s1, $0x3;
	s23 =	simm.s32 $0x4180  }
0x17: {  	s25 =	simm.s32 $0x4280;
	s4 =	sadd.s32 $0x1A00, s12;
	s5 =	sadd.s32 $0x9A00, s12  }
0x18: {  	s9 =	sadd.s32 s11, s9;
	s11 =	sadd.s32 s11, s24;
	s12 =	sadd.s32 $0x39C00, s12  }
0x19: {  	v0 =	vlaneseq.u32;
	s14 =	sadd.s32 s17, s14;
	s15 =	sadd.s32 s17, s15;
	s16 =	sadd.s32 s17, s16  }
0x1a: {  	v2 =	vimm.f32 $2.000000000e+00;
	v3 =	vor.u32 $0x10, v0;
	v1 =	vmov s20;
	s17 =	sadd.s32 s17, s1;
	s24 =	simm.s32 $0x4200;
	s1 =	simm.s32 $0x0  }
.LBB2_1:
0x1b: {  	[tilespmem:s2], [sflag:$0x1] =	stream.linear.gather [hbm4b:s4+s2], $0x2000, $0x38;
	[tilespmem:$0xE300] =	vst v63  }
0x1c: {  	_ =	swait.ge [sflag:s3], $0x2000  }
0x1d: {  	[sflag:s3] =	ssyncset.done $0x0  }
0x1e: {  	[sflag:s3] =	ssyncadd.s32 $0xFFFFE000  }
0x1f: {  	[tilespmem:s19], [sflag:$0x1] =	stream.linear.gather [hbm4b:s5+s2], $0x2000, $0x38;
	[tilespmem:$0xE300] =	vst v63  }
0x20: {  	_ =	swait.ge [sflag:s3], $0x2000  }
0x21: {  	[sflag:s3] =	ssyncset.done $0x0  }
0x22: {  	s0 =	simm.s32 $0x4000;
	[sflag:s3] =	ssyncadd.s32 $0xFFFFE000  }
0x23: {  	[tilespmem:s0], [sflag:$0x1] =	stream.linear.gather [hbm4b:s6+s2], $0x80, $0x38;
	[tilespmem:$0xE300] =	vst v63  }
0x24: {  	_ =	swait.ge [sflag:s3], $0x80  }
0x25: {  	[sflag:s3] =	ssyncset.done $0x0  }
0x26: {  	[sflag:s3] =	ssyncadd.s32 $0xFFFFFF80  }
0x27: {  	[tilespmem:s21], [sflag:$0x1] =	stream.linear.gather [hbm4b:s7+s2], $0x80, $0x38;
	[tilespmem:$0xE300] =	vst v63  }
0x28: {  	_ =	swait.ge [sflag:s3], $0x80  }
0x29: {  	[sflag:s3] =	ssyncset.done $0x0  }
0x2a: {  	[sflag:s3] =	ssyncadd.s32 $0xFFFFFF80  }
0x2b: {  	[tilespmem:s22], [sflag:$0x1] =	stream.linear.gather [hbm4b:s8+s2], $0x80, $0x38;
	[tilespmem:$0xE300] =	vst v63  }
0x2c: {  	_ =	swait.ge [sflag:s3], $0x80  }
0x2d: {  	[sflag:s3] =	ssyncset.done $0x0  }
0x2e: {  	[sflag:s3] =	ssyncadd.s32 $0xFFFFFF80  }
0x2f: {  	[tilespmem:s23], [sflag:$0x1] =	stream.linear.gather [hbm4b:s9+s2], $0x80, $0x38;
	[tilespmem:$0xE300] =	vst v63  }
0x30: {  	_ =	swait.ge [sflag:s3], $0x80  }
0x31: {  	[sflag:s3] =	ssyncset.done $0x0  }
0x32: {  	[sflag:s3] =	ssyncadd.s32 $0xFFFFFF80  }
0x33: {  	[tilespmem:s24], [sflag:$0x1] =	stream.linear.gather [hbm4b:s10+s2], $0x80, $0x38;
	[tilespmem:$0xE300] =	vst v63  }
0x34: {  	_ =	swait.ge [sflag:s3], $0x80  }
0x35: {  	[sflag:s3] =	ssyncset.done $0x0  }
0x36: {  	[sflag:s3] =	ssyncadd.s32 $0xFFFFFF80  }
0x37: {  	[tilespmem:s25], [sflag:$0x1] =	stream.linear.gather [hbm4b:s11+s2], $0x80, $0x38;
	[tilespmem:$0xE300] =	vst v63  }
0x38: {  	_ =	swait.ge [sflag:s3], $0x80  }
0x39: {  	[sflag:s3] =	ssyncset.done $0x0  }
0x3a: {  	[sflag:s3] =	ssyncadd.s32 $0xFFFFFF80  }
0x3b: {  	v4 =	vld [tilespmem:$0x4000];
	_ =	sdelay $0x4  }
0x3c: {  	v4 =	vsub.s32 v4, v1  }
0x3d: {  	vm0 =	vgt.s32 v4, $0x0  }
0x3e: {  	vm1 =	vlt.u32 v4, $0x2000;
	v4 =	vnsel vm0, $0x0, v4  }
0x3f: {  	v4 =	vmin.u32 v4, $0x1FFF;
	_ =	sdelay $0x4  }
0x40: {  	[tilespmem:v4+s2+$0x0] =	vst.idx.msk vm1, v0  }
0x41: {  	[tilespmem:v4+s19+$0x0] =	vst.idx.msk vm1, v2  }
0x42: {  	v4 =	vld [tilespmem:$0x4010];
	_ =	sdelay $0x4  }
0x43: {  	v4 =	vsub.s32 v4, v1  }
0x44: {  	vm14 =	vgt.s32 v4, $0x0  }
0x45: {  	vm15 =	vlt.u32 v4, $0x2000;
	v4 =	vnsel vm14, $0x0, v4  }
0x46: {  	v4 =	vmin.u32 v4, $0x1FFF;
	_ =	sdelay $0x4  }
0x47: {  	[tilespmem:v4+s2+$0x0] =	vst.idx.msk vm15, v3  }
0x48: {  	[tilespmem:v4+s19+$0x0] =	vst.idx.msk vm15, v2  }
0x49: {  	[hbm4b:s12+s2] =	stream.linear.scatter [tilespmem:s19], [sflag:$0x1], $0x2000, $0x38;
	[tilespmem:$0xE300] =	vst v63  }
0x4a: {  	_ =	swait.ge [sflag:s3], $0x2000  }
0x4b: {  	[sflag:s3] =	ssyncset.done $0x0  }
0x4c: {  	s0 =	simm.s32 $0x0;
	[sflag:s3] =	ssyncadd.s32 $0xFFFFE000  }
0x4d: {  	v4 =	vld [tilespmem:s0+$0x0];
	_ =	sdelay $0x7  }
0x4e: {  	v5 =	vld.idx.msk [tilespmem:v4+s21+$0x0], $0xffff;
	_ =	sdelay $0x4  }
0x4f: {  	[tilespmem:s0+$0x4300] =	vst v5  }
0x50: {  	v5 =	vld.idx.msk [tilespmem:v4+s22+$0x0], $0xffff;
	_ =	sdelay $0x4  }
0x51: {  	[tilespmem:s0+$0x6300] =	vst v5  }
0x52: {  	v5 =	vld.idx.msk [tilespmem:v4+s23+$0x0], $0xffff;
	_ =	sdelay $0x4  }
0x53: {  	[tilespmem:s0+$0x8300] =	vst v5  }
0x54: {  	v5 =	vld.idx.msk [tilespmem:v4+s24+$0x0], $0xffff;
	_ =	sdelay $0x3  }
0x55: {  	s26 =	simm.s32 $0x10;
	s20 =	simm.s32 $0x80  }
.LBB2_2:
0x56: {  	p0 =	sne.s32 s20, $0x7FC0;
	v6 =	vld [tilespmem:s26+$0x0];
	[tilespmem:s0+$0xA300] =	vst v5  }
0x57: {  	v5 =	vld.idx.msk [tilespmem:v4+s25+$0x0], $0xffff;
	_ =	sdelay $0x3  }
0x58: {  	v4 =	vmov v6;
	_ =	sdelay $0x1  }
0x59: {  	[tilespmem:s0+$0xC300] =	vst v5;
	s0 =	smov.u32 s26  }
0x5a: {  	v5 =	vld.idx.msk [tilespmem:v6+s21+$0x0], $0xffff;
	_ =	sdelay $0x5  }
0x5b: {  	[tilespmem:s0+$0x4300] =	vst v5  }
0x5c: {  	v5 =	vld.idx.msk [tilespmem:v6+s22+$0x0], $0xffff;
	_ =	sdelay $0x5  }
0x5d: {  	[tilespmem:s0+$0x6300] =	vst v5  }
0x5e: {  	v5 =	vld.idx.msk [tilespmem:v6+s23+$0x0], $0xffff;
	_ =	sdelay $0x5  }
0x5f: {  	[tilespmem:s0+$0x8300] =	vst v5  }
0x60: {  	v5 =	vld.idx.msk [tilespmem:v6+s24+$0x0], $0xffff  }
.Ltmp0:
0x61: {  	(pc) =	sbr.rel @p0 .LBB2_2-.Ltmp0, $2  }
0x62: {  	_ =	sdelay $0x2  }
0x63: {  	s26 =	sshra.s32 s20, $0x2;
	s20 =	sadd.s32 $0x40, s20  }
0x64: {  	_ =	sdelay $0x1  }
0x65: {  	v6 =	vld [tilespmem:s26+$0x0]  }
0x66: {  	[tilespmem:s0+$0xA300] =	vst v5  }
0x67: {  	v4 =	vld.idx.msk [tilespmem:v4+s25+$0x0], $0xffff;
	_ =	sdelay $0x4  }
0x68: {  	[tilespmem:s0+$0xC300] =	vst v4  }
0x69: {  	v4 =	vld.idx.msk [tilespmem:v6+s21+$0x0], $0xffff;
	_ =	sdelay $0x4  }
0x6a: {  	[tilespmem:s26+$0x4300] =	vst v4  }
0x6b: {  	v4 =	vld.idx.msk [tilespmem:v6+s22+$0x0], $0xffff;
	_ =	sdelay $0x4  }
0x6c: {  	[tilespmem:s26+$0x6300] =	vst v4  }
0x6d: {  	v4 =	vld.idx.msk [tilespmem:v6+s23+$0x0], $0xffff;
	_ =	sdelay $0x4  }
0x6e: {  	[tilespmem:s26+$0x8300] =	vst v4  }
0x6f: {  	v4 =	vld.idx.msk [tilespmem:v6+s24+$0x0], $0xffff;
	_ =	sdelay $0x4  }
0x70: {  	[tilespmem:s26+$0xA300] =	vst v4  }
0x71: {  	v4 =	vld.idx.msk [tilespmem:v6+s25+$0x0], $0xffff;
	_ =	sdelay $0x4  }
0x72: {  	[tilespmem:s26+$0xC300] =	vst v4;
	s26 =	simm.s32 $0x4300  }
0x73: {  	[hbm4b:s13+s2] =	stream.linear.scatter [tilespmem:s26], [sflag:$0x1], $0x2000, $0x38;
	[tilespmem:$0xE300] =	vst v63  }
0x74: {  	_ =	swait.ge [sflag:s3], $0x2000  }
0x75: {  	[sflag:s3] =	ssyncset.done $0x0  }
0x76: {  	[sflag:s3] =	ssyncadd.s32 $0xFFFFE000  }
0x77: {  	[hbm4b:s14+s2] =	stream.linear.scatter [tilespmem:s28], [sflag:$0x1], $0x2000, $0x38;
	[tilespmem:$0xE300] =	vst v63  }
0x78: {  	_ =	swait.ge [sflag:s3], $0x2000  }
0x79: {  	[sflag:s3] =	ssyncset.done $0x0  }
0x7a: {  	[sflag:s3] =	ssyncadd.s32 $0xFFFFE000  }
0x7b: {  	[hbm4b:s15+s2] =	stream.linear.scatter [tilespmem:s29], [sflag:$0x1], $0x2000, $0x38;
	[tilespmem:$0xE300] =	vst v63  }
0x7c: {  	_ =	swait.ge [sflag:s3], $0x2000  }
0x7d: {  	[sflag:s3] =	ssyncset.done $0x0  }
0x7e: {  	[sflag:s3] =	ssyncadd.s32 $0xFFFFE000  }
0x7f: {  	[hbm4b:s16+s2] =	stream.linear.scatter [tilespmem:s30], [sflag:$0x1], $0x2000, $0x38;
	[tilespmem:$0xE300] =	vst v63  }
0x80: {  	s1 =	sadd.s32 $0x1, s1;
	_ =	swait.ge [sflag:s3], $0x2000  }
0x81: {  	p0 =	sne.s32 s1, s18;
	[sflag:s3] =	ssyncset.done $0x0  }
.Ltmp1:
0x82: {  	[sflag:s3] =	ssyncadd.s32 $0xFFFFE000;
	(pc) =	sbr.rel @p0 .LBB2_1-.Ltmp1, $4  }
0x83: {  	[hbm4b:s17+s2] =	stream.linear.scatter [tilespmem:s31], [sflag:$0x1], $0x2000, $0x38;
	[tilespmem:$0xE300] =	vst v63  }
0x84: {  	_ =	swait.ge [sflag:s3], $0x2000  }
0x85: {  	[sflag:s3] =	ssyncset.done $0x0  }
0x86: {  	[sflag:s3] =	ssyncadd.s32 $0xFFFFE000  }
0x87: {  	_ =	sfence.sel $0x180000  }
0x88: {  	[bflag:$0x0] =	sbarrier.arrive $0xFFFF  }
0x89: {  	_ =	strace $0x90000047  }
0x8a: {  	s0 =	stileid.u32;
	[bflag:$0x2] =	sbarrier.arrive $0xFFFF  }
0x8b: {  	p0 =	sne.s32 s0, $0x0;
	s0 =	rddreg [dreg:$0x1]  }
0x8c: {  	s0 =	sadd.s32 @!p0 $0x100000, s0  }
0x8d: {  	[sflag:s0] =	ssyncadd.tile.s32 @!p0 $0x1;
	_ =	shalt  }
.Lfunc_end2:
_tile_overlayer_lowered:
.L_overlay_start_2:
0x8e: {  	(tag) =	ssettag $0x2  }
0x8f: {  	s0 =	rddreg [dreg:$0x0];
	s2 =	stileid.u32  }
0x90: {  	s1 =	rddreg [dreg:$0x1];
	p0 =	sne.s32 s2, $0x0  }
0x91: {  	s3 =	rddreg [dreg:$0x2];
	[bflag:$0x3] =	sbarrier.arrive $0xFFFF;
	s2 =	simm.s32 @!p0 $0x1C01  }
0x92: {  	[timem:s3], [sflag:s2] =	dma.local @!p0 [hbm:s0], s1  }
0x93: {  	s0 =	simm.s32 @!p0 $0x1  }
0x94: {  	_ =	swait.ge @!p0 [sflag:s0], s1  }
0x95: {  	s1 =	ssub.s32 @!p0 $0x0, s1;
	[sflag:s0] =	ssyncset.done @!p0 $0x0  }
0x96: {  	[sflag:s0] =	ssyncadd.s32 @!p0 s1  }
0x97: {  	[bflag:$0x3] =	sbarrier.arrive $0xFFFF  }
0x98: {  	_ =	shalt  }

</sc_bundles>
